<compile_context>
chip_gen: v7x
topology: tpu7x:2x2x1
jax: 0.10.2.dev20260603
libtpu: 0.0.44.dev20260713+nightly
codegen_flags: <defaults>
</compile_context>

<pallas_src>
import functools

import jax
import jax.numpy as jnp
from jax import lax
from jax.experimental import pallas as pl
from jax.experimental.pallas import tpu as pltpu
from jax.experimental.pallas import tpu_sc as plsc

N_NODES = 10000
NPAD = 10240
E_EDGES = 160000
EPAD = 163840
K = 128
CHUNKS = 80
DEG_CHUNKS = 40
IN_F = 1152
H_F = 256
C_CLS = 10
G_SEG = 64
ROWS_PER_SUB = 640
NSUB = 16

_MESH = plsc.VectorSubcoreMesh(core_axis_name="c", subcore_axis_name="s")


NPASS = 4
NQ = NPAD // NPASS
EROWS = NQ // NSUB


@functools.partial(
    pl.kernel,
    mesh=_MESH,
    out_type=jax.ShapeDtypeStruct((2 * NPASS, NQ, 128), jnp.float32),
    scratch_types=[
        pltpu.VMEM((CHUNKS, K), jnp.int32),
        pltpu.VMEM((CHUNKS, K), jnp.int32),
        pltpu.VMEM((K, 128), jnp.float32),
        pltpu.VMEM_SHARED((NQ, 128), jnp.float32),
        pltpu.SemaphoreType.DMA,
    ],
)
def _edge_kernel(hp_hbm, src_hbm, dst_hbm, zeros_hbm, out_hbm,
                 srcv, dstv, rows, acc, gsem):
    c = lax.axis_index("c")
    s = lax.axis_index("s")
    table = hp_hbm.at[c]

    for p in range(NPASS):
        pltpu.sync_copy(src_hbm.at[p * NSUB + s], srcv)
        pltpu.sync_copy(dst_hbm.at[p * NSUB + s], dstv)

        def zp(j, carry):
            pltpu.sync_copy(zeros_hbm, acc)
            return carry

        lax.fori_loop(0, jnp.where(s == 0, 1, 0), zp, 0)
        plsc.subcore_barrier()

        def body(j, carry):
            pltpu.async_copy(
                table.at[plsc.Indices(srcv.at[j], ignored_value=-1)],
                rows, gsem).wait()
            pltpu.sync_copy(
                rows, acc.at[plsc.Indices(dstv.at[j], ignored_value=-1)],
                add=True)
            return carry

        lax.fori_loop(0, CHUNKS, body, 0)
        plsc.subcore_barrier()

        def rp(j, carry, p=p):
            pltpu.sync_copy(acc, out_hbm.at[c * NPASS + p])
            return carry

        lax.fori_loop(0, jnp.where(s == 0, 1, 0), rp, 0)
        plsc.subcore_barrier()


def _mm_body(x_ref, w_ref, degp_ref, out_ref):
    deg = degp_ref[0, :, :1] + degp_ref[1, :, :1] + 1.0
    dinv = lax.rsqrt(deg)
    h = jnp.dot(x_ref[...], w_ref[...], preferred_element_type=jnp.float32)
    hp = h * dinv
    out_ref[0] = hp[:, :128]
    out_ref[1] = hp[:, 128:]


MM_BN = 400
MM_GRID = N_NODES // MM_BN


def _post_body(aggp_ref, hp_ref, degp_ref, batch_ref, b1_ref, w2_ref, b2_ref,
               out_ref, sums, counts):
    i = pl.program_id(0)

    @pl.when(i == 0)
    def _():
        sums[...] = jnp.zeros_like(sums)
        counts[...] = jnp.zeros_like(counts)

    deg = degp_ref[0, :, :1] + degp_ref[1, :, :1] + 1.0
    dinv = lax.rsqrt(deg)
    full = jnp.concatenate(
        [aggp_ref[0] + hp_ref[0], aggp_ref[1] + hp_ref[1]], axis=1)
    r = jnp.maximum(full * dinv + b1_ref[...], 0.0)
    gids = lax.broadcasted_iota(jnp.int32, (G_SEG, 1), 0)
    p = (batch_ref[0] == gids).astype(jnp.float32)
    sums[...] += jnp.dot(p, r, preferred_element_type=jnp.float32)
    counts[...] += jnp.sum(p, axis=1, keepdims=True)

    @pl.when(i == MM_GRID - 1)
    def _():
        pooled = sums[...] / jnp.maximum(counts[...], 1.0)
        out_ref[...] = (jnp.dot(pooled, w2_ref[...],
                                preferred_element_type=jnp.float32)
                        + b2_ref[...])


def kernel(x, edge_index, batch, W1, b1, W2, b2):
    src = edge_index[0]
    dst = edge_index[1]
    src_pad = jnp.concatenate(
        [src, jnp.zeros((EPAD - E_EDGES,), jnp.int32)])
    dst_pad = jnp.concatenate(
        [dst, jnp.full((EPAD - E_EDGES,), N_NODES, jnp.int32)])

    sp_list, dp_list = [], []
    for p in range(NPASS):
        lo = p * NQ
        m = (dst_pad >= lo) & (dst_pad < lo + NQ) & (dst_pad < N_NODES)
        sp_list.append(jnp.where(m, src_pad, -1))
        dp_list.append(jnp.where(m, dst_pad - lo, -1))
    srcph = jnp.stack(sp_list).reshape(NPASS * NSUB, CHUNKS, K)
    dstph = jnp.stack(dp_list).reshape(NPASS * NSUB, CHUNKS, K)

    indeg = jnp.zeros((NPAD,), jnp.float32).at[dst].add(1.0)
    degp = jnp.broadcast_to(indeg[None, :, None], (1, NPAD, 16))
    degp = jnp.concatenate([degp, jnp.zeros_like(degp)], axis=0)

    hp = pl.pallas_call(
        _mm_body,
        grid=(MM_GRID,),
        in_specs=[
            pl.BlockSpec((MM_BN, IN_F), lambda i: (i, 0)),
            pl.BlockSpec((IN_F, H_F), lambda i: (0, 0)),
            pl.BlockSpec((2, MM_BN, 16), lambda i: (0, i, 0)),
        ],
        out_specs=pl.BlockSpec((2, MM_BN, 128), lambda i: (0, i, 0)),
        out_shape=jax.ShapeDtypeStruct((2, NPAD, 128), jnp.float32),
    )(x, W1, degp)

    zeros_e = jnp.zeros((NQ, 128), jnp.float32)
    agg = _edge_kernel(hp, srcph, dstph, zeros_e).reshape(2, NPAD, 128)

    logits = pl.pallas_call(
        _post_body,
        grid=(MM_GRID,),
        in_specs=[
            pl.BlockSpec((2, MM_BN, 128), lambda i: (0, i, 0)),
            pl.BlockSpec((2, MM_BN, 128), lambda i: (0, i, 0)),
            pl.BlockSpec((2, MM_BN, 16), lambda i: (0, i, 0)),
            pl.BlockSpec((1, 1, MM_BN), lambda i: (i, 0, 0)),
            pl.BlockSpec((1, H_F), lambda i: (0, 0)),
            pl.BlockSpec((H_F, C_CLS), lambda i: (0, 0)),
            pl.BlockSpec((1, C_CLS), lambda i: (0, 0)),
        ],
        out_specs=pl.BlockSpec((G_SEG, C_CLS), lambda i: (0, 0)),
        out_shape=jax.ShapeDtypeStruct((G_SEG, C_CLS), jnp.float32),
        scratch_shapes=[
            pltpu.VMEM((G_SEG, H_F), jnp.float32),
            pltpu.VMEM((G_SEG, 1), jnp.float32),
        ],
    )(agg, hp, degp, batch.reshape(MM_GRID, 1, MM_BN), b1.reshape(1, H_F),
      W2, b2.reshape(1, C_CLS))

    return logits

# --- scband reference (transcript-rebuilt; emitter-appended) ---
"""Pipeline reference for scband-gnn-26568667693064 (READ-ONLY COPY).

The authoritative reference and input builder live on the scoring server;
editing this copy changes nothing except your own understanding.
"""

import jax, jax.numpy as jnp
import numpy as np

N = 10000
E = 160000
IN = 1152
H = 256
C = 10
G = 64

def setup_inputs(seed: int = 0) -> dict:
    key = jax.random.key(seed)
    k1, k2, k3, k4, k5 = jax.random.split(key, 5)
    x = jax.random.normal(k1, (N, IN), dtype=jnp.float32)
    edge_index = jax.random.randint(k2, (2, E), 0, N, dtype=jnp.int32)
    batch = jnp.sort(jax.random.randint(k3, (N,), 0, G, dtype=jnp.int32))
    W1 = jax.random.normal(k4, (IN, H), dtype=jnp.float32) * (1.0 / np.sqrt(IN))
    b1 = jnp.zeros((H,), dtype=jnp.float32)
    W2 = jax.random.normal(k5, (H, C), dtype=jnp.float32) * (1.0 / np.sqrt(H))
    b2 = jnp.zeros((C,), dtype=jnp.float32)
    return {"x": x, "edge_index": edge_index, "batch": batch, "W1": W1, "b1": b1, "W2": W2, "b2": b2}

def reference(x, edge_index, batch, W1, b1, W2, b2):
    # GCNConv(1152 -> 256) with default add_self_loops=True, symmetric normalization
    n = x.shape[0]
    src = edge_index[0]
    dst = edge_index[1]
    loop = jnp.arange(n, dtype=src.dtype)
    src = jnp.concatenate([src, loop])
    dst = jnp.concatenate([dst, loop])
    # linear transform first (standard GCNConv ordering)
    h = x @ W1
    # degree-based symmetric norm: D^{-1/2} A D^{-1/2}
    deg = jnp.zeros((n,), dtype=h.dtype).at[dst].add(1.0)
    dinv = jnp.where(deg > 0, 1.0 / jnp.sqrt(deg), 0.0)
    norm = dinv[src] * dinv[dst]
    # message passing: gather from src, scale, scatter-add to dst
    msg = h[src] * norm[:, None]
    out = jnp.zeros_like(h).at[dst].add(msg)
    out = out + b1
    # ReLU
    out = jax.nn.relu(out)
    # global_mean_pool over batch segment ids
    sums = jax.ops.segment_sum(out, batch, num_segments=G)
    counts = jax.ops.segment_sum(jnp.ones((n, 1), dtype=out.dtype), batch, num_segments=G)
    pooled = sums / jnp.maximum(counts, 1.0)
    # final classifier head
    logits = pooled @ W2 + b2
    return logits

if __name__ == "__main__":
    import jax
    _d = setup_inputs()
    print(jax.jit(kernel)(*tuple(_d.values())))

</pallas_src>

<mosaic_0001>
#map = affine_map<(d0, d1) -> (0, 0, 0)>
#map1 = affine_map<(d0, d1) -> (0, 0)>
module attributes {stable_mosaic.version = 14 : i64} {
  func.func @_edge_kernel(%arg0: i32, %arg1: i32, %arg2: memref<2x10240x128xf32, #tpu.memory_space<hbm>>, %arg3: memref<64x80x128xi32, #tpu.memory_space<hbm>>, %arg4: memref<64x80x128xi32, #tpu.memory_space<hbm>>, %arg5: memref<2560x128xf32, #tpu.memory_space<hbm>>, %arg6: memref<8x2560x128xf32, #tpu.memory_space<hbm>>, %arg7: memref<80x128xi32, #tpu.memory_space<vmem>>, %arg8: memref<80x128xi32, #tpu.memory_space<vmem>>, %arg9: memref<128x128xf32, #tpu.memory_space<vmem>>, %arg10: memref<2560x128xf32, #tpu.memory_space<vmem_shared>>, %arg11: memref<!tpu.dma_semaphore, #tpu.memory_space<semaphore_mem>>) attributes {dimension_semantics = [#tpu.dimension_semantics<core_parallel>, #tpu.dimension_semantics<subcore_parallel>], iteration_bounds = array<i64: 2, 16>, scalar_prefetch = 0 : i64, scratch_operands = 5 : i64, tpu.core_type = #tpu.core_type<sc_vector_subcore>, window_params = [{transform_indices = #map}, {transform_indices = #map}, {transform_indices = #map}, {transform_indices = #map1}, {transform_indices = #map}]} {
    %add3A = arith.constant 0 : i32
    %add3A_0 = arith.addi %add3A, %arg1 : i32
    "tpu.region"() ({
      %run_scoped3A = tpu.sem_alloc : memref<!tpu.dma_semaphore, #tpu.memory_space<semaphore_mem>>
      %dma_start3A = arith.constant 0 : i32
      %dma_start3A_165 = arith.constant 0 : i32
      %dma_start3A_166 = tpu.memref_slice %arg3[%add3A_0, %dma_start3A, %dma_start3A_165] : memref<64x80x128xi32, #tpu.memory_space<hbm>> -> memref<1x80x128xi32, #tpu.memory_space<hbm>>
      %dma_start3A_167 = tpu.memref_squeeze %dma_start3A_166 : memref<1x80x128xi32, #tpu.memory_space<hbm>> -> memref<80x128xi32, #tpu.memory_space<hbm>>
      %dma_start3A_168 = arith.constant 0 : i32
      %dma_start3A_169 = arith.constant 0 : i32
      %dma_start3A_170 = tpu.memref_slice %arg3[%add3A_0, %dma_start3A_168, %dma_start3A_169] : memref<64x80x128xi32, #tpu.memory_space<hbm>> -> memref<1x80x128xi32, #tpu.memory_space<hbm>>
      %dma_start3A_171 = tpu.memref_squeeze %dma_start3A_170 : memref<1x80x128xi32, #tpu.memory_space<hbm>> -> memref<80x128xi32, #tpu.memory_space<hbm>>
      tpu.enqueue_dma source(%dma_start3A_171 : memref<80x128xi32, #tpu.memory_space<hbm>>) target(%arg7 : memref<80x128xi32, #tpu.memory_space<vmem>>) target_semaphore(%run_scoped3A : memref<!tpu.dma_semaphore, #tpu.memory_space<semaphore_mem>>)
      %dma_wait3A = arith.constant 0 : i32
      %dma_wait3A_172 = arith.constant 0 : i32
      %dma_wait3A_173 = tpu.memref_slice %arg3[%add3A_0, %dma_wait3A, %dma_wait3A_172] : memref<64x80x128xi32, #tpu.memory_space<hbm>> -> memref<1x80x128xi32, #tpu.memory_space<hbm>>
      %dma_wait3A_174 = tpu.memref_squeeze %dma_wait3A_173 : memref<1x80x128xi32, #tpu.memory_space<hbm>> -> memref<80x128xi32, #tpu.memory_space<hbm>>
      %dma_wait3A_175 = arith.constant 0 : i32
      %dma_wait3A_176 = arith.constant 0 : i32
      %dma_wait3A_177 = tpu.memref_slice %arg3[%add3A_0, %dma_wait3A_175, %dma_wait3A_176] : memref<64x80x128xi32, #tpu.memory_space<hbm>> -> memref<1x80x128xi32, #tpu.memory_space<hbm>>
      %dma_wait3A_178 = tpu.memref_squeeze %dma_wait3A_177 : memref<1x80x128xi32, #tpu.memory_space<hbm>> -> memref<80x128xi32, #tpu.memory_space<hbm>>
      tpu.wait_dma2 semaphore(%run_scoped3A : memref<!tpu.dma_semaphore, #tpu.memory_space<semaphore_mem>>) src(%dma_wait3A_178 : memref<80x128xi32, #tpu.memory_space<hbm>>) dst(%arg7 : memref<80x128xi32, #tpu.memory_space<vmem>>)
      tpu.yield
    }) : () -> ()
    %add3A_1 = arith.constant 0 : i32
    %add3A_2 = arith.addi %add3A_1, %arg1 : i32
    "tpu.region"() ({
      %run_scoped3A = tpu.sem_alloc : memref<!tpu.dma_semaphore, #tpu.memory_space<semaphore_mem>>
      %dma_start3A = arith.constant 0 : i32
      %dma_start3A_165 = arith.constant 0 : i32
      %dma_start3A_166 = tpu.memref_slice %arg4[%add3A_2, %dma_start3A, %dma_start3A_165] : memref<64x80x128xi32, #tpu.memory_space<hbm>> -> memref<1x80x128xi32, #tpu.memory_space<hbm>>
      %dma_start3A_167 = tpu.memref_squeeze %dma_start3A_166 : memref<1x80x128xi32, #tpu.memory_space<hbm>> -> memref<80x128xi32, #tpu.memory_space<hbm>>
      %dma_start3A_168 = arith.constant 0 : i32
      %dma_start3A_169 = arith.constant 0 : i32
      %dma_start3A_170 = tpu.memref_slice %arg4[%add3A_2, %dma_start3A_168, %dma_start3A_169] : memref<64x80x128xi32, #tpu.memory_space<hbm>> -> memref<1x80x128xi32, #tpu.memory_space<hbm>>
      %dma_start3A_171 = tpu.memref_squeeze %dma_start3A_170 : memref<1x80x128xi32, #tpu.memory_space<hbm>> -> memref<80x128xi32, #tpu.memory_space<hbm>>
      tpu.enqueue_dma source(%dma_start3A_171 : memref<80x128xi32, #tpu.memory_space<hbm>>) target(%arg8 : memref<80x128xi32, #tpu.memory_space<vmem>>) target_semaphore(%run_scoped3A : memref<!tpu.dma_semaphore, #tpu.memory_space<semaphore_mem>>)
      %dma_wait3A = arith.constant 0 : i32
      %dma_wait3A_172 = arith.constant 0 : i32
      %dma_wait3A_173 = tpu.memref_slice %arg4[%add3A_2, %dma_wait3A, %dma_wait3A_172] : memref<64x80x128xi32, #tpu.memory_space<hbm>> -> memref<1x80x128xi32, #tpu.memory_space<hbm>>
      %dma_wait3A_174 = tpu.memref_squeeze %dma_wait3A_173 : memref<1x80x128xi32, #tpu.memory_space<hbm>> -> memref<80x128xi32, #tpu.memory_space<hbm>>
      %dma_wait3A_175 = arith.constant 0 : i32
      %dma_wait3A_176 = arith.constant 0 : i32
      %dma_wait3A_177 = tpu.memref_slice %arg4[%add3A_2, %dma_wait3A_175, %dma_wait3A_176] : memref<64x80x128xi32, #tpu.memory_space<hbm>> -> memref<1x80x128xi32, #tpu.memory_space<hbm>>
      %dma_wait3A_178 = tpu.memref_squeeze %dma_wait3A_177 : memref<1x80x128xi32, #tpu.memory_space<hbm>> -> memref<80x128xi32, #tpu.memory_space<hbm>>
      tpu.wait_dma2 semaphore(%run_scoped3A : memref<!tpu.dma_semaphore, #tpu.memory_space<semaphore_mem>>) src(%dma_wait3A_178 : memref<80x128xi32, #tpu.memory_space<hbm>>) dst(%arg8 : memref<80x128xi32, #tpu.memory_space<vmem>>)
      tpu.yield
    }) : () -> ()
    %eq3A = arith.constant 0 : i32
    %eq3A_3 = arith.cmpi eq, %arg1, %eq3A : i32
    %jit3A = arith.constant 1 : i32
    %jit3A_4 = arith.constant 0 : i32
    %select_n3A = arith.select %eq3A_3, %jit3A, %jit3A_4 : i32
    %while3A = arith.constant 0 : i32
    %while3A_5 = arith.constant 0 : i32
    %while3A_6 = arith.subi %select_n3A, %while3A_5 : i32
    %while3A_7 = arith.addi %while3A_5, %while3A_6 : i32
    %while3A_8 = arith.constant 1 : i32
    %while3A_9 = arith.divsi %while3A_6, %while3A_8 : i32
    %while3A_10 = arith.muli %while3A_9, %while3A_8 : i32
    %while3A_11 = arith.addi %while3A_5, %while3A_10 : i32
    %while3A_12 = arith.constant 1 : i32
    scf.for %while3A_165 = %while3A_5 to %while3A_11 step %while3A_12  : i32 {
      "tpu.region"() ({
        %run_scoped3A = tpu.sem_alloc : memref<!tpu.dma_semaphore, #tpu.memory_space<semaphore_mem>>
        tpu.enqueue_dma source(%arg5 : memref<2560x128xf32, #tpu.memory_space<hbm>>) target(%arg10 : memref<2560x128xf32, #tpu.memory_space<vmem_shared>>) target_semaphore(%run_scoped3A : memref<!tpu.dma_semaphore, #tpu.memory_space<semaphore_mem>>)
        tpu.wait_dma2 semaphore(%run_scoped3A : memref<!tpu.dma_semaphore, #tpu.memory_space<semaphore_mem>>) src(%arg5 : memref<2560x128xf32, #tpu.memory_space<hbm>>) dst(%arg10 : memref<2560x128xf32, #tpu.memory_space<vmem_shared>>)
        tpu.yield
      }) : () -> ()
    }
    %while3A_13 = arith.constant 1 : i32
    scf.for %while3A_165 = %while3A_11 to %while3A_7 step %while3A_13  : i32 {
      "tpu.region"() ({
        %run_scoped3A = tpu.sem_alloc : memref<!tpu.dma_semaphore, #tpu.memory_space<semaphore_mem>>
        tpu.enqueue_dma source(%arg5 : memref<2560x128xf32, #tpu.memory_space<hbm>>) target(%arg10 : memref<2560x128xf32, #tpu.memory_space<vmem_shared>>) target_semaphore(%run_scoped3A : memref<!tpu.dma_semaphore, #tpu.memory_space<semaphore_mem>>)
        tpu.wait_dma2 semaphore(%run_scoped3A : memref<!tpu.dma_semaphore, #tpu.memory_space<semaphore_mem>>) src(%arg5 : memref<2560x128xf32, #tpu.memory_space<hbm>>) dst(%arg10 : memref<2560x128xf32, #tpu.memory_space<vmem_shared>>)
        tpu.yield
      }) : () -> ()
    }
    %barrier3A = arith.constant 0 : index
    tpu.barrier barrier_id(%barrier3A)
    %scan3A = arith.constant 0 : i32
    %scan3A_14 = arith.constant 0 : i32
    %scan3A_15 = arith.constant 80 : i32
    %scan3A_16 = arith.addi %scan3A_14, %scan3A_15 : i32
    %scan3A_17 = arith.constant 1 : i32
    scf.for %scan3A_165 = %scan3A_14 to %scan3A_16 step %scan3A_17  : i32 {
      %dma_start3A = arith.constant 0 : i32
      %dma_start3A_166 = tpu.memref_slice %arg7[%scan3A_165, %dma_start3A] : memref<80x128xi32, #tpu.memory_space<vmem>> -> memref<1x128xi32, #tpu.memory_space<vmem>>
      %dma_start3A_167 = tpu.memref_squeeze %dma_start3A_166 : memref<1x128xi32, #tpu.memory_space<vmem>> -> memref<128xi32, #tpu.memory_space<vmem>>
      %dma_start3A_168 = arith.constant 0 : i32
      %dma_start3A_169 = arith.constant 0 : i32
      %dma_start3A_170 = tpu.memref_slice %arg2[%arg0, %dma_start3A_168, %dma_start3A_169] : memref<2x10240x128xf32, #tpu.memory_space<hbm>> -> memref<1x10240x128xf32, #tpu.memory_space<hbm>>
      %dma_start3A_171 = tpu.memref_squeeze %dma_start3A_170 : memref<1x10240x128xf32, #tpu.memory_space<hbm>> -> memref<10240x128xf32, #tpu.memory_space<hbm>>
      %dma_start3A_172 = arith.constant 0 : i32
      %dma_start3A_173 = arith.constant 0 : i32
      %dma_start3A_174 = tpu.memref_slice %dma_start3A_171[%dma_start3A_172, %dma_start3A_173] : memref<10240x128xf32, #tpu.memory_space<hbm>> -> memref<10240x128xf32, #tpu.memory_space<hbm>>
      %dma_start3A_175 = arith.constant -1 : i32
      tpu.enqueue_indirect_dma source(%dma_start3A_174 : memref<10240x128xf32, #tpu.memory_space<hbm>>) target(%arg9 : memref<128x128xf32, #tpu.memory_space<vmem>>) offsets(%dma_start3A_167 : memref<128xi32, #tpu.memory_space<vmem>>) offset_filter(%dma_start3A_175) semaphore(%arg11 : memref<!tpu.dma_semaphore, #tpu.memory_space<semaphore_mem>>)
      %dma_wait3A = arith.constant 0 : i32
      %dma_wait3A_176 = tpu.memref_slice %arg7[%scan3A_165, %dma_wait3A] : memref<80x128xi32, #tpu.memory_space<vmem>> -> memref<1x128xi32, #tpu.memory_space<vmem>>
      %dma_wait3A_177 = tpu.memref_squeeze %dma_wait3A_176 : memref<1x128xi32, #tpu.memory_space<vmem>> -> memref<128xi32, #tpu.memory_space<vmem>>
      %dma_wait3A_178 = arith.constant 0 : i32
      %dma_wait3A_179 = arith.constant 0 : i32
      %dma_wait3A_180 = tpu.memref_slice %arg2[%arg0, %dma_wait3A_178, %dma_wait3A_179] : memref<2x10240x128xf32, #tpu.memory_space<hbm>> -> memref<1x10240x128xf32, #tpu.memory_space<hbm>>
      %dma_wait3A_181 = tpu.memref_squeeze %dma_wait3A_180 : memref<1x10240x128xf32, #tpu.memory_space<hbm>> -> memref<10240x128xf32, #tpu.memory_space<hbm>>
      %dma_wait3A_182 = arith.constant 0 : i32
      %dma_wait3A_183 = arith.constant 0 : i32
      %dma_wait3A_184 = tpu.memref_slice %dma_wait3A_181[%dma_wait3A_182, %dma_wait3A_183] : memref<10240x128xf32, #tpu.memory_space<hbm>> -> memref<10240x128xf32, #tpu.memory_space<hbm>>
      tpu.wait_indirect_dma semaphore(%arg11 : memref<!tpu.dma_semaphore, #tpu.memory_space<semaphore_mem>>) src(%dma_wait3A_184 : memref<10240x128xf32, #tpu.memory_space<hbm>>) dst(%arg9 : memref<128x128xf32, #tpu.memory_space<vmem>>)
      "tpu.region"() ({
        %run_scoped3A = tpu.sem_alloc : memref<!tpu.dma_semaphore, #tpu.memory_space<semaphore_mem>>
        %dma_start3A_185 = arith.constant 0 : i32
        %dma_start3A_186 = tpu.memref_slice %arg8[%scan3A_165, %dma_start3A_185] : memref<80x128xi32, #tpu.memory_space<vmem>> -> memref<1x128xi32, #tpu.memory_space<vmem>>
        %dma_start3A_187 = tpu.memref_squeeze %dma_start3A_186 : memref<1x128xi32, #tpu.memory_space<vmem>> -> memref<128xi32, #tpu.memory_space<vmem>>
        %dma_start3A_188 = arith.constant 0 : i32
        %dma_start3A_189 = arith.constant 0 : i32
        %dma_start3A_190 = tpu.memref_slice %arg10[%dma_start3A_188, %dma_start3A_189] : memref<2560x128xf32, #tpu.memory_space<vmem_shared>> -> memref<2560x128xf32, #tpu.memory_space<vmem_shared>>
        %dma_start3A_191 = arith.constant -1 : i32
        tpu.enqueue_indirect_dma source(%arg9 : memref<128x128xf32, #tpu.memory_space<vmem>>) target(%dma_start3A_190 : memref<2560x128xf32, #tpu.memory_space<vmem_shared>>) offsets(%dma_start3A_187 : memref<128xi32, #tpu.memory_space<vmem>>) offset_filter(%dma_start3A_191) semaphore(%run_scoped3A : memref<!tpu.dma_semaphore, #tpu.memory_space<semaphore_mem>>) {add = true}
        %dma_wait3A_192 = arith.constant 0 : i32
        %dma_wait3A_193 = tpu.memref_slice %arg8[%scan3A_165, %dma_wait3A_192] : memref<80x128xi32, #tpu.memory_space<vmem>> -> memref<1x128xi32, #tpu.memory_space<vmem>>
        %dma_wait3A_194 = tpu.memref_squeeze %dma_wait3A_193 : memref<1x128xi32, #tpu.memory_space<vmem>> -> memref<128xi32, #tpu.memory_space<vmem>>
        %dma_wait3A_195 = arith.constant 0 : i32
        %dma_wait3A_196 = arith.constant 0 : i32
        %dma_wait3A_197 = tpu.memref_slice %arg10[%dma_wait3A_195, %dma_wait3A_196] : memref<2560x128xf32, #tpu.memory_space<vmem_shared>> -> memref<2560x128xf32, #tpu.memory_space<vmem_shared>>
        tpu.wait_indirect_dma semaphore(%run_scoped3A : memref<!tpu.dma_semaphore, #tpu.memory_space<semaphore_mem>>) src(%arg9 : memref<128x128xf32, #tpu.memory_space<vmem>>) dst(%dma_wait3A_197 : memref<2560x128xf32, #tpu.memory_space<vmem_shared>>)
        tpu.yield
      }) : () -> ()
    }
    %scan3A_18 = arith.constant 80 : i32
    %barrier3A_19 = arith.constant 0 : index
    tpu.barrier barrier_id(%barrier3A_19)
    %eq3A_20 = arith.constant 0 : i32
    %eq3A_21 = arith.cmpi eq, %arg1, %eq3A_20 : i32
    %jit3A_22 = arith.constant 1 : i32
    %jit3A_23 = arith.constant 0 : i32
    %select_n3A_24 = arith.select %eq3A_21, %jit3A_22, %jit3A_23 : i32
    %while3A_25 = arith.constant 0 : i32
    %while3A_26 = arith.constant 0 : i32
    %while3A_27 = arith.subi %select_n3A_24, %while3A_26 : i32
    %while3A_28 = arith.addi %while3A_26, %while3A_27 : i32
    %while3A_29 = arith.constant 1 : i32
    %while3A_30 = arith.divsi %while3A_27, %while3A_29 : i32
    %while3A_31 = arith.muli %while3A_30, %while3A_29 : i32
    %while3A_32 = arith.addi %while3A_26, %while3A_31 : i32
    %while3A_33 = arith.constant 1 : i32
    scf.for %while3A_165 = %while3A_26 to %while3A_32 step %while3A_33  : i32 {
      %mul3A = arith.constant 4 : i32
      %mul3A_166 = arith.muli %arg0, %mul3A : i32
      %add3A_167 = arith.constant 0 : i32
      %add3A_168 = arith.addi %mul3A_166, %add3A_167 : i32
      "tpu.region"() ({
        %run_scoped3A = tpu.sem_alloc : memref<!tpu.dma_semaphore, #tpu.memory_space<semaphore_mem>>
        %dma_start3A = arith.constant 0 : i32
        %dma_start3A_169 = arith.constant 0 : i32
        %dma_start3A_170 = tpu.memref_slice %arg6[%add3A_168, %dma_start3A, %dma_start3A_169] : memref<8x2560x128xf32, #tpu.memory_space<hbm>> -> memref<1x2560x128xf32, #tpu.memory_space<hbm>>
        %dma_start3A_171 = tpu.memref_squeeze %dma_start3A_170 : memref<1x2560x128xf32, #tpu.memory_space<hbm>> -> memref<2560x128xf32, #tpu.memory_space<hbm>>
        tpu.enqueue_dma source(%arg10 : memref<2560x128xf32, #tpu.memory_space<vmem_shared>>) target(%dma_start3A_171 : memref<2560x128xf32, #tpu.memory_space<hbm>>) target_semaphore(%run_scoped3A : memref<!tpu.dma_semaphore, #tpu.memory_space<semaphore_mem>>)
        %dma_wait3A = arith.constant 0 : i32
        %dma_wait3A_172 = arith.constant 0 : i32
        %dma_wait3A_173 = tpu.memref_slice %arg6[%add3A_168, %dma_wait3A, %dma_wait3A_172] : memref<8x2560x128xf32, #tpu.memory_space<hbm>> -> memref<1x2560x128xf32, #tpu.memory_space<hbm>>
        %dma_wait3A_174 = tpu.memref_squeeze %dma_wait3A_173 : memref<1x2560x128xf32, #tpu.memory_space<hbm>> -> memref<2560x128xf32, #tpu.memory_space<hbm>>
        tpu.wait_dma2 semaphore(%run_scoped3A : memref<!tpu.dma_semaphore, #tpu.memory_space<semaphore_mem>>) src(%arg10 : memref<2560x128xf32, #tpu.memory_space<vmem_shared>>) dst(%dma_wait3A_174 : memref<2560x128xf32, #tpu.memory_space<hbm>>)
        tpu.yield
      }) : () -> ()
    }
    %while3A_34 = arith.constant 1 : i32
    scf.for %while3A_165 = %while3A_32 to %while3A_28 step %while3A_34  : i32 {
      %mul3A = arith.constant 4 : i32
      %mul3A_166 = arith.muli %arg0, %mul3A : i32
      %add3A_167 = arith.constant 0 : i32
      %add3A_168 = arith.addi %mul3A_166, %add3A_167 : i32
      "tpu.region"() ({
        %run_scoped3A = tpu.sem_alloc : memref<!tpu.dma_semaphore, #tpu.memory_space<semaphore_mem>>
        %dma_start3A = arith.constant 0 : i32
        %dma_start3A_169 = arith.constant 0 : i32
        %dma_start3A_170 = tpu.memref_slice %arg6[%add3A_168, %dma_start3A, %dma_start3A_169] : memref<8x2560x128xf32, #tpu.memory_space<hbm>> -> memref<1x2560x128xf32, #tpu.memory_space<hbm>>
        %dma_start3A_171 = tpu.memref_squeeze %dma_start3A_170 : memref<1x2560x128xf32, #tpu.memory_space<hbm>> -> memref<2560x128xf32, #tpu.memory_space<hbm>>
        tpu.enqueue_dma source(%arg10 : memref<2560x128xf32, #tpu.memory_space<vmem_shared>>) target(%dma_start3A_171 : memref<2560x128xf32, #tpu.memory_space<hbm>>) target_semaphore(%run_scoped3A : memref<!tpu.dma_semaphore, #tpu.memory_space<semaphore_mem>>)
        %dma_wait3A = arith.constant 0 : i32
        %dma_wait3A_172 = arith.constant 0 : i32
        %dma_wait3A_173 = tpu.memref_slice %arg6[%add3A_168, %dma_wait3A, %dma_wait3A_172] : memref<8x2560x128xf32, #tpu.memory_space<hbm>> -> memref<1x2560x128xf32, #tpu.memory_space<hbm>>
        %dma_wait3A_174 = tpu.memref_squeeze %dma_wait3A_173 : memref<1x2560x128xf32, #tpu.memory_space<hbm>> -> memref<2560x128xf32, #tpu.memory_space<hbm>>
        tpu.wait_dma2 semaphore(%run_scoped3A : memref<!tpu.dma_semaphore, #tpu.memory_space<semaphore_mem>>) src(%arg10 : memref<2560x128xf32, #tpu.memory_space<vmem_shared>>) dst(%dma_wait3A_174 : memref<2560x128xf32, #tpu.memory_space<hbm>>)
        tpu.yield
      }) : () -> ()
    }
    %barrier3A_35 = arith.constant 0 : index
    tpu.barrier barrier_id(%barrier3A_35)
    %add3A_36 = arith.constant 16 : i32
    %add3A_37 = arith.addi %add3A_36, %arg1 : i32
    "tpu.region"() ({
      %run_scoped3A = tpu.sem_alloc : memref<!tpu.dma_semaphore, #tpu.memory_space<semaphore_mem>>
      %dma_start3A = arith.constant 0 : i32
      %dma_start3A_165 = arith.constant 0 : i32
      %dma_start3A_166 = tpu.memref_slice %arg3[%add3A_37, %dma_start3A, %dma_start3A_165] : memref<64x80x128xi32, #tpu.memory_space<hbm>> -> memref<1x80x128xi32, #tpu.memory_space<hbm>>
      %dma_start3A_167 = tpu.memref_squeeze %dma_start3A_166 : memref<1x80x128xi32, #tpu.memory_space<hbm>> -> memref<80x128xi32, #tpu.memory_space<hbm>>
      %dma_start3A_168 = arith.constant 0 : i32
      %dma_start3A_169 = arith.constant 0 : i32
      %dma_start3A_170 = tpu.memref_slice %arg3[%add3A_37, %dma_start3A_168, %dma_start3A_169] : memref<64x80x128xi32, #tpu.memory_space<hbm>> -> memref<1x80x128xi32, #tpu.memory_space<hbm>>
      %dma_start3A_171 = tpu.memref_squeeze %dma_start3A_170 : memref<1x80x128xi32, #tpu.memory_space<hbm>> -> memref<80x128xi32, #tpu.memory_space<hbm>>
      tpu.enqueue_dma source(%dma_start3A_171 : memref<80x128xi32, #tpu.memory_space<hbm>>) target(%arg7 : memref<80x128xi32, #tpu.memory_space<vmem>>) target_semaphore(%run_scoped3A : memref<!tpu.dma_semaphore, #tpu.memory_space<semaphore_mem>>)
      %dma_wait3A = arith.constant 0 : i32
      %dma_wait3A_172 = arith.constant 0 : i32
      %dma_wait3A_173 = tpu.memref_slice %arg3[%add3A_37, %dma_wait3A, %dma_wait3A_172] : memref<64x80x128xi32, #tpu.memory_space<hbm>> -> memref<1x80x128xi32, #tpu.memory_space<hbm>>
      %dma_wait3A_174 = tpu.memref_squeeze %dma_wait3A_173 : memref<1x80x128xi32, #tpu.memory_space<hbm>> -> memref<80x128xi32, #tpu.memory_space<hbm>>
      %dma_wait3A_175 = arith.constant 0 : i32
      %dma_wait3A_176 = arith.constant 0 : i32
      %dma_wait3A_177 = tpu.memref_slice %arg3[%add3A_37, %dma_wait3A_175, %dma_wait3A_176] : memref<64x80x128xi32, #tpu.memory_space<hbm>> -> memref<1x80x128xi32, #tpu.memory_space<hbm>>
      %dma_wait3A_178 = tpu.memref_squeeze %dma_wait3A_177 : memref<1x80x128xi32, #tpu.memory_space<hbm>> -> memref<80x128xi32, #tpu.memory_space<hbm>>
      tpu.wait_dma2 semaphore(%run_scoped3A : memref<!tpu.dma_semaphore, #tpu.memory_space<semaphore_mem>>) src(%dma_wait3A_178 : memref<80x128xi32, #tpu.memory_space<hbm>>) dst(%arg7 : memref<80x128xi32, #tpu.memory_space<vmem>>)
      tpu.yield
    }) : () -> ()
    %add3A_38 = arith.constant 16 : i32
    %add3A_39 = arith.addi %add3A_38, %arg1 : i32
    "tpu.region"() ({
      %run_scoped3A = tpu.sem_alloc : memref<!tpu.dma_semaphore, #tpu.memory_space<semaphore_mem>>
      %dma_start3A = arith.constant 0 : i32
      %dma_start3A_165 = arith.constant 0 : i32
      %dma_start3A_166 = tpu.memref_slice %arg4[%add3A_39, %dma_start3A, %dma_start3A_165] : memref<64x80x128xi32, #tpu.memory_space<hbm>> -> memref<1x80x128xi32, #tpu.memory_space<hbm>>
      %dma_start3A_167 = tpu.memref_squeeze %dma_start3A_166 : memref<1x80x128xi32, #tpu.memory_space<hbm>> -> memref<80x128xi32, #tpu.memory_space<hbm>>
      %dma_start3A_168 = arith.constant 0 : i32
      %dma_start3A_169 = arith.constant 0 : i32
      %dma_start3A_170 = tpu.memref_slice %arg4[%add3A_39, %dma_start3A_168, %dma_start3A_169] : memref<64x80x128xi32, #tpu.memory_space<hbm>> -> memref<1x80x128xi32, #tpu.memory_space<hbm>>
      %dma_start3A_171 = tpu.memref_squeeze %dma_start3A_170 : memref<1x80x128xi32, #tpu.memory_space<hbm>> -> memref<80x128xi32, #tpu.memory_space<hbm>>
      tpu.enqueue_dma source(%dma_start3A_171 : memref<80x128xi32, #tpu.memory_space<hbm>>) target(%arg8 : memref<80x128xi32, #tpu.memory_space<vmem>>) target_semaphore(%run_scoped3A : memref<!tpu.dma_semaphore, #tpu.memory_space<semaphore_mem>>)
      %dma_wait3A = arith.constant 0 : i32
      %dma_wait3A_172 = arith.constant 0 : i32
      %dma_wait3A_173 = tpu.memref_slice %arg4[%add3A_39, %dma_wait3A, %dma_wait3A_172] : memref<64x80x128xi32, #tpu.memory_space<hbm>> -> memref<1x80x128xi32, #tpu.memory_space<hbm>>
      %dma_wait3A_174 = tpu.memref_squeeze %dma_wait3A_173 : memref<1x80x128xi32, #tpu.memory_space<hbm>> -> memref<80x128xi32, #tpu.memory_space<hbm>>
      %dma_wait3A_175 = arith.constant 0 : i32
      %dma_wait3A_176 = arith.constant 0 : i32
      %dma_wait3A_177 = tpu.memref_slice %arg4[%add3A_39, %dma_wait3A_175, %dma_wait3A_176] : memref<64x80x128xi32, #tpu.memory_space<hbm>> -> memref<1x80x128xi32, #tpu.memory_space<hbm>>
      %dma_wait3A_178 = tpu.memref_squeeze %dma_wait3A_177 : memref<1x80x128xi32, #tpu.memory_space<hbm>> -> memref<80x128xi32, #tpu.memory_space<hbm>>
      tpu.wait_dma2 semaphore(%run_scoped3A : memref<!tpu.dma_semaphore, #tpu.memory_space<semaphore_mem>>) src(%dma_wait3A_178 : memref<80x128xi32, #tpu.memory_space<hbm>>) dst(%arg8 : memref<80x128xi32, #tpu.memory_space<vmem>>)
      tpu.yield
    }) : () -> ()
    %eq3A_40 = arith.constant 0 : i32
    %eq3A_41 = arith.cmpi eq, %arg1, %eq3A_40 : i32
    %jit3A_42 = arith.constant 1 : i32
    %jit3A_43 = arith.constant 0 : i32
    %select_n3A_44 = arith.select %eq3A_41, %jit3A_42, %jit3A_43 : i32
    %while3A_45 = arith.constant 0 : i32
    %while3A_46 = arith.constant 0 : i32
    %while3A_47 = arith.subi %select_n3A_44, %while3A_46 : i32
    %while3A_48 = arith.addi %while3A_46, %while3A_47 : i32
    %while3A_49 = arith.constant 1 : i32
    %while3A_50 = arith.divsi %while3A_47, %while3A_49 : i32
    %while3A_51 = arith.muli %while3A_50, %while3A_49 : i32
    %while3A_52 = arith.addi %while3A_46, %while3A_51 : i32
    %while3A_53 = arith.constant 1 : i32
    scf.for %while3A_165 = %while3A_46 to %while3A_52 step %while3A_53  : i32 {
      "tpu.region"() ({
        %run_scoped3A = tpu.sem_alloc : memref<!tpu.dma_semaphore, #tpu.memory_space<semaphore_mem>>
        tpu.enqueue_dma source(%arg5 : memref<2560x128xf32, #tpu.memory_space<hbm>>) target(%arg10 : memref<2560x128xf32, #tpu.memory_space<vmem_shared>>) target_semaphore(%run_scoped3A : memref<!tpu.dma_semaphore, #tpu.memory_space<semaphore_mem>>)
        tpu.wait_dma2 semaphore(%run_scoped3A : memref<!tpu.dma_semaphore, #tpu.memory_space<semaphore_mem>>) src(%arg5 : memref<2560x128xf32, #tpu.memory_space<hbm>>) dst(%arg10 : memref<2560x128xf32, #tpu.memory_space<vmem_shared>>)
        tpu.yield
      }) : () -> ()
    }
    %while3A_54 = arith.constant 1 : i32
    scf.for %while3A_165 = %while3A_52 to %while3A_48 step %while3A_54  : i32 {
      "tpu.region"() ({
        %run_scoped3A = tpu.sem_alloc : memref<!tpu.dma_semaphore, #tpu.memory_space<semaphore_mem>>
        tpu.enqueue_dma source(%arg5 : memref<2560x128xf32, #tpu.memory_space<hbm>>) target(%arg10 : memref<2560x128xf32, #tpu.memory_space<vmem_shared>>) target_semaphore(%run_scoped3A : memref<!tpu.dma_semaphore, #tpu.memory_space<semaphore_mem>>)
        tpu.wait_dma2 semaphore(%run_scoped3A : memref<!tpu.dma_semaphore, #tpu.memory_space<semaphore_mem>>) src(%arg5 : memref<2560x128xf32, #tpu.memory_space<hbm>>) dst(%arg10 : memref<2560x128xf32, #tpu.memory_space<vmem_shared>>)
        tpu.yield
      }) : () -> ()
    }
    %barrier3A_55 = arith.constant 0 : index
    tpu.barrier barrier_id(%barrier3A_55)
    %scan3A_56 = arith.constant 0 : i32
    %scan3A_57 = arith.constant 0 : i32
    %scan3A_58 = arith.constant 80 : i32
    %scan3A_59 = arith.addi %scan3A_57, %scan3A_58 : i32
    %scan3A_60 = arith.constant 1 : i32
    scf.for %scan3A_165 = %scan3A_57 to %scan3A_59 step %scan3A_60  : i32 {
      %dma_start3A = arith.constant 0 : i32
      %dma_start3A_166 = tpu.memref_slice %arg7[%scan3A_165, %dma_start3A] : memref<80x128xi32, #tpu.memory_space<vmem>> -> memref<1x128xi32, #tpu.memory_space<vmem>>
      %dma_start3A_167 = tpu.memref_squeeze %dma_start3A_166 : memref<1x128xi32, #tpu.memory_space<vmem>> -> memref<128xi32, #tpu.memory_space<vmem>>
      %dma_start3A_168 = arith.constant 0 : i32
      %dma_start3A_169 = arith.constant 0 : i32
      %dma_start3A_170 = tpu.memref_slice %arg2[%arg0, %dma_start3A_168, %dma_start3A_169] : memref<2x10240x128xf32, #tpu.memory_space<hbm>> -> memref<1x10240x128xf32, #tpu.memory_space<hbm>>
      %dma_start3A_171 = tpu.memref_squeeze %dma_start3A_170 : memref<1x10240x128xf32, #tpu.memory_space<hbm>> -> memref<10240x128xf32, #tpu.memory_space<hbm>>
      %dma_start3A_172 = arith.constant 0 : i32
      %dma_start3A_173 = arith.constant 0 : i32
      %dma_start3A_174 = tpu.memref_slice %dma_start3A_171[%dma_start3A_172, %dma_start3A_173] : memref<10240x128xf32, #tpu.memory_space<hbm>> -> memref<10240x128xf32, #tpu.memory_space<hbm>>
      %dma_start3A_175 = arith.constant -1 : i32
      tpu.enqueue_indirect_dma source(%dma_start3A_174 : memref<10240x128xf32, #tpu.memory_space<hbm>>) target(%arg9 : memref<128x128xf32, #tpu.memory_space<vmem>>) offsets(%dma_start3A_167 : memref<128xi32, #tpu.memory_space<vmem>>) offset_filter(%dma_start3A_175) semaphore(%arg11 : memref<!tpu.dma_semaphore, #tpu.memory_space<semaphore_mem>>)
      %dma_wait3A = arith.constant 0 : i32
      %dma_wait3A_176 = tpu.memref_slice %arg7[%scan3A_165, %dma_wait3A] : memref<80x128xi32, #tpu.memory_space<vmem>> -> memref<1x128xi32, #tpu.memory_space<vmem>>
      %dma_wait3A_177 = tpu.memref_squeeze %dma_wait3A_176 : memref<1x128xi32, #tpu.memory_space<vmem>> -> memref<128xi32, #tpu.memory_space<vmem>>
      %dma_wait3A_178 = arith.constant 0 : i32
      %dma_wait3A_179 = arith.constant 0 : i32
      %dma_wait3A_180 = tpu.memref_slice %arg2[%arg0, %dma_wait3A_178, %dma_wait3A_179] : memref<2x10240x128xf32, #tpu.memory_space<hbm>> -> memref<1x10240x128xf32, #tpu.memory_space<hbm>>
      %dma_wait3A_181 = tpu.memref_squeeze %dma_wait3A_180 : memref<1x10240x128xf32, #tpu.memory_space<hbm>> -> memref<10240x128xf32, #tpu.memory_space<hbm>>
      %dma_wait3A_182 = arith.constant 0 : i32
      %dma_wait3A_183 = arith.constant 0 : i32
      %dma_wait3A_184 = tpu.memref_slice %dma_wait3A_181[%dma_wait3A_182, %dma_wait3A_183] : memref<10240x128xf32, #tpu.memory_space<hbm>> -> memref<10240x128xf32, #tpu.memory_space<hbm>>
      tpu.wait_indirect_dma semaphore(%arg11 : memref<!tpu.dma_semaphore, #tpu.memory_space<semaphore_mem>>) src(%dma_wait3A_184 : memref<10240x128xf32, #tpu.memory_space<hbm>>) dst(%arg9 : memref<128x128xf32, #tpu.memory_space<vmem>>)
      "tpu.region"() ({
        %run_scoped3A = tpu.sem_alloc : memref<!tpu.dma_semaphore, #tpu.memory_space<semaphore_mem>>
        %dma_start3A_185 = arith.constant 0 : i32
        %dma_start3A_186 = tpu.memref_slice %arg8[%scan3A_165, %dma_start3A_185] : memref<80x128xi32, #tpu.memory_space<vmem>> -> memref<1x128xi32, #tpu.memory_space<vmem>>
        %dma_start3A_187 = tpu.memref_squeeze %dma_start3A_186 : memref<1x128xi32, #tpu.memory_space<vmem>> -> memref<128xi32, #tpu.memory_space<vmem>>
        %dma_start3A_188 = arith.constant 0 : i32
        %dma_start3A_189 = arith.constant 0 : i32
        %dma_start3A_190 = tpu.memref_slice %arg10[%dma_start3A_188, %dma_start3A_189] : memref<2560x128xf32, #tpu.memory_space<vmem_shared>> -> memref<2560x128xf32, #tpu.memory_space<vmem_shared>>
        %dma_start3A_191 = arith.constant -1 : i32
        tpu.enqueue_indirect_dma source(%arg9 : memref<128x128xf32, #tpu.memory_space<vmem>>) target(%dma_start3A_190 : memref<2560x128xf32, #tpu.memory_space<vmem_shared>>) offsets(%dma_start3A_187 : memref<128xi32, #tpu.memory_space<vmem>>) offset_filter(%dma_start3A_191) semaphore(%run_scoped3A : memref<!tpu.dma_semaphore, #tpu.memory_space<semaphore_mem>>) {add = true}
        %dma_wait3A_192 = arith.constant 0 : i32
        %dma_wait3A_193 = tpu.memref_slice %arg8[%scan3A_165, %dma_wait3A_192] : memref<80x128xi32, #tpu.memory_space<vmem>> -> memref<1x128xi32, #tpu.memory_space<vmem>>
        %dma_wait3A_194 = tpu.memref_squeeze %dma_wait3A_193 : memref<1x128xi32, #tpu.memory_space<vmem>> -> memref<128xi32, #tpu.memory_space<vmem>>
        %dma_wait3A_195 = arith.constant 0 : i32
        %dma_wait3A_196 = arith.constant 0 : i32
        %dma_wait3A_197 = tpu.memref_slice %arg10[%dma_wait3A_195, %dma_wait3A_196] : memref<2560x128xf32, #tpu.memory_space<vmem_shared>> -> memref<2560x128xf32, #tpu.memory_space<vmem_shared>>
        tpu.wait_indirect_dma semaphore(%run_scoped3A : memref<!tpu.dma_semaphore, #tpu.memory_space<semaphore_mem>>) src(%arg9 : memref<128x128xf32, #tpu.memory_space<vmem>>) dst(%dma_wait3A_197 : memref<2560x128xf32, #tpu.memory_space<vmem_shared>>)
        tpu.yield
      }) : () -> ()
    }
    %scan3A_61 = arith.constant 80 : i32
    %barrier3A_62 = arith.constant 0 : index
    tpu.barrier barrier_id(%barrier3A_62)
    %eq3A_63 = arith.constant 0 : i32
    %eq3A_64 = arith.cmpi eq, %arg1, %eq3A_63 : i32
    %jit3A_65 = arith.constant 1 : i32
    %jit3A_66 = arith.constant 0 : i32
    %select_n3A_67 = arith.select %eq3A_64, %jit3A_65, %jit3A_66 : i32
    %while3A_68 = arith.constant 0 : i32
    %while3A_69 = arith.constant 0 : i32
    %while3A_70 = arith.subi %select_n3A_67, %while3A_69 : i32
    %while3A_71 = arith.addi %while3A_69, %while3A_70 : i32
    %while3A_72 = arith.constant 1 : i32
    %while3A_73 = arith.divsi %while3A_70, %while3A_72 : i32
    %while3A_74 = arith.muli %while3A_73, %while3A_72 : i32
    %while3A_75 = arith.addi %while3A_69, %while3A_74 : i32
    %while3A_76 = arith.constant 1 : i32
    scf.for %while3A_165 = %while3A_69 to %while3A_75 step %while3A_76  : i32 {
      %mul3A = arith.constant 4 : i32
      %mul3A_166 = arith.muli %arg0, %mul3A : i32
      %add3A_167 = arith.constant 1 : i32
      %add3A_168 = arith.addi %mul3A_166, %add3A_167 : i32
      "tpu.region"() ({
        %run_scoped3A = tpu.sem_alloc : memref<!tpu.dma_semaphore, #tpu.memory_space<semaphore_mem>>
        %dma_start3A = arith.constant 0 : i32
        %dma_start3A_169 = arith.constant 0 : i32
        %dma_start3A_170 = tpu.memref_slice %arg6[%add3A_168, %dma_start3A, %dma_start3A_169] : memref<8x2560x128xf32, #tpu.memory_space<hbm>> -> memref<1x2560x128xf32, #tpu.memory_space<hbm>>
        %dma_start3A_171 = tpu.memref_squeeze %dma_start3A_170 : memref<1x2560x128xf32, #tpu.memory_space<hbm>> -> memref<2560x128xf32, #tpu.memory_space<hbm>>
        tpu.enqueue_dma source(%arg10 : memref<2560x128xf32, #tpu.memory_space<vmem_shared>>) target(%dma_start3A_171 : memref<2560x128xf32, #tpu.memory_space<hbm>>) target_semaphore(%run_scoped3A : memref<!tpu.dma_semaphore, #tpu.memory_space<semaphore_mem>>)
        %dma_wait3A = arith.constant 0 : i32
        %dma_wait3A_172 = arith.constant 0 : i32
        %dma_wait3A_173 = tpu.memref_slice %arg6[%add3A_168, %dma_wait3A, %dma_wait3A_172] : memref<8x2560x128xf32, #tpu.memory_space<hbm>> -> memref<1x2560x128xf32, #tpu.memory_space<hbm>>
        %dma_wait3A_174 = tpu.memref_squeeze %dma_wait3A_173 : memref<1x2560x128xf32, #tpu.memory_space<hbm>> -> memref<2560x128xf32, #tpu.memory_space<hbm>>
        tpu.wait_dma2 semaphore(%run_scoped3A : memref<!tpu.dma_semaphore, #tpu.memory_space<semaphore_mem>>) src(%arg10 : memref<2560x128xf32, #tpu.memory_space<vmem_shared>>) dst(%dma_wait3A_174 : memref<2560x128xf32, #tpu.memory_space<hbm>>)
        tpu.yield
      }) : () -> ()
    }
    %while3A_77 = arith.constant 1 : i32
    scf.for %while3A_165 = %while3A_75 to %while3A_71 step %while3A_77  : i32 {
      %mul3A = arith.constant 4 : i32
      %mul3A_166 = arith.muli %arg0, %mul3A : i32
      %add3A_167 = arith.constant 1 : i32
      %add3A_168 = arith.addi %mul3A_166, %add3A_167 : i32
      "tpu.region"() ({
        %run_scoped3A = tpu.sem_alloc : memref<!tpu.dma_semaphore, #tpu.memory_space<semaphore_mem>>
        %dma_start3A = arith.constant 0 : i32
        %dma_start3A_169 = arith.constant 0 : i32
        %dma_start3A_170 = tpu.memref_slice %arg6[%add3A_168, %dma_start3A, %dma_start3A_169] : memref<8x2560x128xf32, #tpu.memory_space<hbm>> -> memref<1x2560x128xf32, #tpu.memory_space<hbm>>
        %dma_start3A_171 = tpu.memref_squeeze %dma_start3A_170 : memref<1x2560x128xf32, #tpu.memory_space<hbm>> -> memref<2560x128xf32, #tpu.memory_space<hbm>>
        tpu.enqueue_dma source(%arg10 : memref<2560x128xf32, #tpu.memory_space<vmem_shared>>) target(%dma_start3A_171 : memref<2560x128xf32, #tpu.memory_space<hbm>>) target_semaphore(%run_scoped3A : memref<!tpu.dma_semaphore, #tpu.memory_space<semaphore_mem>>)
        %dma_wait3A = arith.constant 0 : i32
        %dma_wait3A_172 = arith.constant 0 : i32
        %dma_wait3A_173 = tpu.memref_slice %arg6[%add3A_168, %dma_wait3A, %dma_wait3A_172] : memref<8x2560x128xf32, #tpu.memory_space<hbm>> -> memref<1x2560x128xf32, #tpu.memory_space<hbm>>
        %dma_wait3A_174 = tpu.memref_squeeze %dma_wait3A_173 : memref<1x2560x128xf32, #tpu.memory_space<hbm>> -> memref<2560x128xf32, #tpu.memory_space<hbm>>
        tpu.wait_dma2 semaphore(%run_scoped3A : memref<!tpu.dma_semaphore, #tpu.memory_space<semaphore_mem>>) src(%arg10 : memref<2560x128xf32, #tpu.memory_space<vmem_shared>>) dst(%dma_wait3A_174 : memref<2560x128xf32, #tpu.memory_space<hbm>>)
        tpu.yield
      }) : () -> ()
    }
    %barrier3A_78 = arith.constant 0 : index
    tpu.barrier barrier_id(%barrier3A_78)
    %add3A_79 = arith.constant 32 : i32
    %add3A_80 = arith.addi %add3A_79, %arg1 : i32
    "tpu.region"() ({
      %run_scoped3A = tpu.sem_alloc : memref<!tpu.dma_semaphore, #tpu.memory_space<semaphore_mem>>
      %dma_start3A = arith.constant 0 : i32
      %dma_start3A_165 = arith.constant 0 : i32
      %dma_start3A_166 = tpu.memref_slice %arg3[%add3A_80, %dma_start3A, %dma_start3A_165] : memref<64x80x128xi32, #tpu.memory_space<hbm>> -> memref<1x80x128xi32, #tpu.memory_space<hbm>>
      %dma_start3A_167 = tpu.memref_squeeze %dma_start3A_166 : memref<1x80x128xi32, #tpu.memory_space<hbm>> -> memref<80x128xi32, #tpu.memory_space<hbm>>
      %dma_start3A_168 = arith.constant 0 : i32
      %dma_start3A_169 = arith.constant 0 : i32
      %dma_start3A_170 = tpu.memref_slice %arg3[%add3A_80, %dma_start3A_168, %dma_start3A_169] : memref<64x80x128xi32, #tpu.memory_space<hbm>> -> memref<1x80x128xi32, #tpu.memory_space<hbm>>
      %dma_start3A_171 = tpu.memref_squeeze %dma_start3A_170 : memref<1x80x128xi32, #tpu.memory_space<hbm>> -> memref<80x128xi32, #tpu.memory_space<hbm>>
      tpu.enqueue_dma source(%dma_start3A_171 : memref<80x128xi32, #tpu.memory_space<hbm>>) target(%arg7 : memref<80x128xi32, #tpu.memory_space<vmem>>) target_semaphore(%run_scoped3A : memref<!tpu.dma_semaphore, #tpu.memory_space<semaphore_mem>>)
      %dma_wait3A = arith.constant 0 : i32
      %dma_wait3A_172 = arith.constant 0 : i32
      %dma_wait3A_173 = tpu.memref_slice %arg3[%add3A_80, %dma_wait3A, %dma_wait3A_172] : memref<64x80x128xi32, #tpu.memory_space<hbm>> -> memref<1x80x128xi32, #tpu.memory_space<hbm>>
      %dma_wait3A_174 = tpu.memref_squeeze %dma_wait3A_173 : memref<1x80x128xi32, #tpu.memory_space<hbm>> -> memref<80x128xi32, #tpu.memory_space<hbm>>
      %dma_wait3A_175 = arith.constant 0 : i32
      %dma_wait3A_176 = arith.constant 0 : i32
      %dma_wait3A_177 = tpu.memref_slice %arg3[%add3A_80, %dma_wait3A_175, %dma_wait3A_176] : memref<64x80x128xi32, #tpu.memory_space<hbm>> -> memref<1x80x128xi32, #tpu.memory_space<hbm>>
      %dma_wait3A_178 = tpu.memref_squeeze %dma_wait3A_177 : memref<1x80x128xi32, #tpu.memory_space<hbm>> -> memref<80x128xi32, #tpu.memory_space<hbm>>
      tpu.wait_dma2 semaphore(%run_scoped3A : memref<!tpu.dma_semaphore, #tpu.memory_space<semaphore_mem>>) src(%dma_wait3A_178 : memref<80x128xi32, #tpu.memory_space<hbm>>) dst(%arg7 : memref<80x128xi32, #tpu.memory_space<vmem>>)
      tpu.yield
    }) : () -> ()
    %add3A_81 = arith.constant 32 : i32
    %add3A_82 = arith.addi %add3A_81, %arg1 : i32
    "tpu.region"() ({
      %run_scoped3A = tpu.sem_alloc : memref<!tpu.dma_semaphore, #tpu.memory_space<semaphore_mem>>
      %dma_start3A = arith.constant 0 : i32
      %dma_start3A_165 = arith.constant 0 : i32
      %dma_start3A_166 = tpu.memref_slice %arg4[%add3A_82, %dma_start3A, %dma_start3A_165] : memref<64x80x128xi32, #tpu.memory_space<hbm>> -> memref<1x80x128xi32, #tpu.memory_space<hbm>>
      %dma_start3A_167 = tpu.memref_squeeze %dma_start3A_166 : memref<1x80x128xi32, #tpu.memory_space<hbm>> -> memref<80x128xi32, #tpu.memory_space<hbm>>
      %dma_start3A_168 = arith.constant 0 : i32
      %dma_start3A_169 = arith.constant 0 : i32
      %dma_start3A_170 = tpu.memref_slice %arg4[%add3A_82, %dma_start3A_168, %dma_start3A_169] : memref<64x80x128xi32, #tpu.memory_space<hbm>> -> memref<1x80x128xi32, #tpu.memory_space<hbm>>
      %dma_start3A_171 = tpu.memref_squeeze %dma_start3A_170 : memref<1x80x128xi32, #tpu.memory_space<hbm>> -> memref<80x128xi32, #tpu.memory_space<hbm>>
      tpu.enqueue_dma source(%dma_start3A_171 : memref<80x128xi32, #tpu.memory_space<hbm>>) target(%arg8 : memref<80x128xi32, #tpu.memory_space<vmem>>) target_semaphore(%run_scoped3A : memref<!tpu.dma_semaphore, #tpu.memory_space<semaphore_mem>>)
      %dma_wait3A = arith.constant 0 : i32
      %dma_wait3A_172 = arith.constant 0 : i32
      %dma_wait3A_173 = tpu.memref_slice %arg4[%add3A_82, %dma_wait3A, %dma_wait3A_172] : memref<64x80x128xi32, #tpu.memory_space<hbm>> -> memref<1x80x128xi32, #tpu.memory_space<hbm>>
      %dma_wait3A_174 = tpu.memref_squeeze %dma_wait3A_173 : memref<1x80x128xi32, #tpu.memory_space<hbm>> -> memref<80x128xi32, #tpu.memory_space<hbm>>
      %dma_wait3A_175 = arith.constant 0 : i32
      %dma_wait3A_176 = arith.constant 0 : i32
      %dma_wait3A_177 = tpu.memref_slice %arg4[%add3A_82, %dma_wait3A_175, %dma_wait3A_176] : memref<64x80x128xi32, #tpu.memory_space<hbm>> -> memref<1x80x128xi32, #tpu.memory_space<hbm>>
      %dma_wait3A_178 = tpu.memref_squeeze %dma_wait3A_177 : memref<1x80x128xi32, #tpu.memory_space<hbm>> -> memref<80x128xi32, #tpu.memory_space<hbm>>
      tpu.wait_dma2 semaphore(%run_scoped3A : memref<!tpu.dma_semaphore, #tpu.memory_space<semaphore_mem>>) src(%dma_wait3A_178 : memref<80x128xi32, #tpu.memory_space<hbm>>) dst(%arg8 : memref<80x128xi32, #tpu.memory_space<vmem>>)
      tpu.yield
    }) : () -> ()
    %eq3A_83 = arith.constant 0 : i32
    %eq3A_84 = arith.cmpi eq, %arg1, %eq3A_83 : i32
    %jit3A_85 = arith.constant 1 : i32
    %jit3A_86 = arith.constant 0 : i32
    %select_n3A_87 = arith.select %eq3A_84, %jit3A_85, %jit3A_86 : i32
    %while3A_88 = arith.constant 0 : i32
    %while3A_89 = arith.constant 0 : i32
    %while3A_90 = arith.subi %select_n3A_87, %while3A_89 : i32
    %while3A_91 = arith.addi %while3A_89, %while3A_90 : i32
    %while3A_92 = arith.constant 1 : i32
    %while3A_93 = arith.divsi %while3A_90, %while3A_92 : i32
    %while3A_94 = arith.muli %while3A_93, %while3A_92 : i32
    %while3A_95 = arith.addi %while3A_89, %while3A_94 : i32
    %while3A_96 = arith.constant 1 : i32
    scf.for %while3A_165 = %while3A_89 to %while3A_95 step %while3A_96  : i32 {
      "tpu.region"() ({
        %run_scoped3A = tpu.sem_alloc : memref<!tpu.dma_semaphore, #tpu.memory_space<semaphore_mem>>
        tpu.enqueue_dma source(%arg5 : memref<2560x128xf32, #tpu.memory_space<hbm>>) target(%arg10 : memref<2560x128xf32, #tpu.memory_space<vmem_shared>>) target_semaphore(%run_scoped3A : memref<!tpu.dma_semaphore, #tpu.memory_space<semaphore_mem>>)
        tpu.wait_dma2 semaphore(%run_scoped3A : memref<!tpu.dma_semaphore, #tpu.memory_space<semaphore_mem>>) src(%arg5 : memref<2560x128xf32, #tpu.memory_space<hbm>>) dst(%arg10 : memref<2560x128xf32, #tpu.memory_space<vmem_shared>>)
        tpu.yield
      }) : () -> ()
    }
    %while3A_97 = arith.constant 1 : i32
    scf.for %while3A_165 = %while3A_95 to %while3A_91 step %while3A_97  : i32 {
      "tpu.region"() ({
        %run_scoped3A = tpu.sem_alloc : memref<!tpu.dma_semaphore, #tpu.memory_space<semaphore_mem>>
        tpu.enqueue_dma source(%arg5 : memref<2560x128xf32, #tpu.memory_space<hbm>>) target(%arg10 : memref<2560x128xf32, #tpu.memory_space<vmem_shared>>) target_semaphore(%run_scoped3A : memref<!tpu.dma_semaphore, #tpu.memory_space<semaphore_mem>>)
        tpu.wait_dma2 semaphore(%run_scoped3A : memref<!tpu.dma_semaphore, #tpu.memory_space<semaphore_mem>>) src(%arg5 : memref<2560x128xf32, #tpu.memory_space<hbm>>) dst(%arg10 : memref<2560x128xf32, #tpu.memory_space<vmem_shared>>)
        tpu.yield
      }) : () -> ()
    }
    %barrier3A_98 = arith.constant 0 : index
    tpu.barrier barrier_id(%barrier3A_98)
    %scan3A_99 = arith.constant 0 : i32
    %scan3A_100 = arith.constant 0 : i32
    %scan3A_101 = arith.constant 80 : i32
    %scan3A_102 = arith.addi %scan3A_100, %scan3A_101 : i32
    %scan3A_103 = arith.constant 1 : i32
    scf.for %scan3A_165 = %scan3A_100 to %scan3A_102 step %scan3A_103  : i32 {
      %dma_start3A = arith.constant 0 : i32
      %dma_start3A_166 = tpu.memref_slice %arg7[%scan3A_165, %dma_start3A] : memref<80x128xi32, #tpu.memory_space<vmem>> -> memref<1x128xi32, #tpu.memory_space<vmem>>
      %dma_start3A_167 = tpu.memref_squeeze %dma_start3A_166 : memref<1x128xi32, #tpu.memory_space<vmem>> -> memref<128xi32, #tpu.memory_space<vmem>>
      %dma_start3A_168 = arith.constant 0 : i32
      %dma_start3A_169 = arith.constant 0 : i32
      %dma_start3A_170 = tpu.memref_slice %arg2[%arg0, %dma_start3A_168, %dma_start3A_169] : memref<2x10240x128xf32, #tpu.memory_space<hbm>> -> memref<1x10240x128xf32, #tpu.memory_space<hbm>>
      %dma_start3A_171 = tpu.memref_squeeze %dma_start3A_170 : memref<1x10240x128xf32, #tpu.memory_space<hbm>> -> memref<10240x128xf32, #tpu.memory_space<hbm>>
      %dma_start3A_172 = arith.constant 0 : i32
      %dma_start3A_173 = arith.constant 0 : i32
      %dma_start3A_174 = tpu.memref_slice %dma_start3A_171[%dma_start3A_172, %dma_start3A_173] : memref<10240x128xf32, #tpu.memory_space<hbm>> -> memref<10240x128xf32, #tpu.memory_space<hbm>>
      %dma_start3A_175 = arith.constant -1 : i32
      tpu.enqueue_indirect_dma source(%dma_start3A_174 : memref<10240x128xf32, #tpu.memory_space<hbm>>) target(%arg9 : memref<128x128xf32, #tpu.memory_space<vmem>>) offsets(%dma_start3A_167 : memref<128xi32, #tpu.memory_space<vmem>>) offset_filter(%dma_start3A_175) semaphore(%arg11 : memref<!tpu.dma_semaphore, #tpu.memory_space<semaphore_mem>>)
      %dma_wait3A = arith.constant 0 : i32
      %dma_wait3A_176 = tpu.memref_slice %arg7[%scan3A_165, %dma_wait3A] : memref<80x128xi32, #tpu.memory_space<vmem>> -> memref<1x128xi32, #tpu.memory_space<vmem>>
      %dma_wait3A_177 = tpu.memref_squeeze %dma_wait3A_176 : memref<1x128xi32, #tpu.memory_space<vmem>> -> memref<128xi32, #tpu.memory_space<vmem>>
      %dma_wait3A_178 = arith.constant 0 : i32
      %dma_wait3A_179 = arith.constant 0 : i32
      %dma_wait3A_180 = tpu.memref_slice %arg2[%arg0, %dma_wait3A_178, %dma_wait3A_179] : memref<2x10240x128xf32, #tpu.memory_space<hbm>> -> memref<1x10240x128xf32, #tpu.memory_space<hbm>>
      %dma_wait3A_181 = tpu.memref_squeeze %dma_wait3A_180 : memref<1x10240x128xf32, #tpu.memory_space<hbm>> -> memref<10240x128xf32, #tpu.memory_space<hbm>>
      %dma_wait3A_182 = arith.constant 0 : i32
      %dma_wait3A_183 = arith.constant 0 : i32
      %dma_wait3A_184 = tpu.memref_slice %dma_wait3A_181[%dma_wait3A_182, %dma_wait3A_183] : memref<10240x128xf32, #tpu.memory_space<hbm>> -> memref<10240x128xf32, #tpu.memory_space<hbm>>
      tpu.wait_indirect_dma semaphore(%arg11 : memref<!tpu.dma_semaphore, #tpu.memory_space<semaphore_mem>>) src(%dma_wait3A_184 : memref<10240x128xf32, #tpu.memory_space<hbm>>) dst(%arg9 : memref<128x128xf32, #tpu.memory_space<vmem>>)
      "tpu.region"() ({
        %run_scoped3A = tpu.sem_alloc : memref<!tpu.dma_semaphore, #tpu.memory_space<semaphore_mem>>
        %dma_start3A_185 = arith.constant 0 : i32
        %dma_start3A_186 = tpu.memref_slice %arg8[%scan3A_165, %dma_start3A_185] : memref<80x128xi32, #tpu.memory_space<vmem>> -> memref<1x128xi32, #tpu.memory_space<vmem>>
        %dma_start3A_187 = tpu.memref_squeeze %dma_start3A_186 : memref<1x128xi32, #tpu.memory_space<vmem>> -> memref<128xi32, #tpu.memory_space<vmem>>
        %dma_start3A_188 = arith.constant 0 : i32
        %dma_start3A_189 = arith.constant 0 : i32
        %dma_start3A_190 = tpu.memref_slice %arg10[%dma_start3A_188, %dma_start3A_189] : memref<2560x128xf32, #tpu.memory_space<vmem_shared>> -> memref<2560x128xf32, #tpu.memory_space<vmem_shared>>
        %dma_start3A_191 = arith.constant -1 : i32
        tpu.enqueue_indirect_dma source(%arg9 : memref<128x128xf32, #tpu.memory_space<vmem>>) target(%dma_start3A_190 : memref<2560x128xf32, #tpu.memory_space<vmem_shared>>) offsets(%dma_start3A_187 : memref<128xi32, #tpu.memory_space<vmem>>) offset_filter(%dma_start3A_191) semaphore(%run_scoped3A : memref<!tpu.dma_semaphore, #tpu.memory_space<semaphore_mem>>) {add = true}
        %dma_wait3A_192 = arith.constant 0 : i32
        %dma_wait3A_193 = tpu.memref_slice %arg8[%scan3A_165, %dma_wait3A_192] : memref<80x128xi32, #tpu.memory_space<vmem>> -> memref<1x128xi32, #tpu.memory_space<vmem>>
        %dma_wait3A_194 = tpu.memref_squeeze %dma_wait3A_193 : memref<1x128xi32, #tpu.memory_space<vmem>> -> memref<128xi32, #tpu.memory_space<vmem>>
        %dma_wait3A_195 = arith.constant 0 : i32
        %dma_wait3A_196 = arith.constant 0 : i32
        %dma_wait3A_197 = tpu.memref_slice %arg10[%dma_wait3A_195, %dma_wait3A_196] : memref<2560x128xf32, #tpu.memory_space<vmem_shared>> -> memref<2560x128xf32, #tpu.memory_space<vmem_shared>>
        tpu.wait_indirect_dma semaphore(%run_scoped3A : memref<!tpu.dma_semaphore, #tpu.memory_space<semaphore_mem>>) src(%arg9 : memref<128x128xf32, #tpu.memory_space<vmem>>) dst(%dma_wait3A_197 : memref<2560x128xf32, #tpu.memory_space<vmem_shared>>)
        tpu.yield
      }) : () -> ()
    }
    %scan3A_104 = arith.constant 80 : i32
    %barrier3A_105 = arith.constant 0 : index
    tpu.barrier barrier_id(%barrier3A_105)
    %eq3A_106 = arith.constant 0 : i32
    %eq3A_107 = arith.cmpi eq, %arg1, %eq3A_106 : i32
    %jit3A_108 = arith.constant 1 : i32
    %jit3A_109 = arith.constant 0 : i32
    %select_n3A_110 = arith.select %eq3A_107, %jit3A_108, %jit3A_109 : i32
    %while3A_111 = arith.constant 0 : i32
    %while3A_112 = arith.constant 0 : i32
    %while3A_113 = arith.subi %select_n3A_110, %while3A_112 : i32
    %while3A_114 = arith.addi %while3A_112, %while3A_113 : i32
    %while3A_115 = arith.constant 1 : i32
    %while3A_116 = arith.divsi %while3A_113, %while3A_115 : i32
    %while3A_117 = arith.muli %while3A_116, %while3A_115 : i32
    %while3A_118 = arith.addi %while3A_112, %while3A_117 : i32
    %while3A_119 = arith.constant 1 : i32
    scf.for %while3A_165 = %while3A_112 to %while3A_118 step %while3A_119  : i32 {
      %mul3A = arith.constant 4 : i32
      %mul3A_166 = arith.muli %arg0, %mul3A : i32
      %add3A_167 = arith.constant 2 : i32
      %add3A_168 = arith.addi %mul3A_166, %add3A_167 : i32
      "tpu.region"() ({
        %run_scoped3A = tpu.sem_alloc : memref<!tpu.dma_semaphore, #tpu.memory_space<semaphore_mem>>
        %dma_start3A = arith.constant 0 : i32
        %dma_start3A_169 = arith.constant 0 : i32
        %dma_start3A_170 = tpu.memref_slice %arg6[%add3A_168, %dma_start3A, %dma_start3A_169] : memref<8x2560x128xf32, #tpu.memory_space<hbm>> -> memref<1x2560x128xf32, #tpu.memory_space<hbm>>
        %dma_start3A_171 = tpu.memref_squeeze %dma_start3A_170 : memref<1x2560x128xf32, #tpu.memory_space<hbm>> -> memref<2560x128xf32, #tpu.memory_space<hbm>>
        tpu.enqueue_dma source(%arg10 : memref<2560x128xf32, #tpu.memory_space<vmem_shared>>) target(%dma_start3A_171 : memref<2560x128xf32, #tpu.memory_space<hbm>>) target_semaphore(%run_scoped3A : memref<!tpu.dma_semaphore, #tpu.memory_space<semaphore_mem>>)
        %dma_wait3A = arith.constant 0 : i32
        %dma_wait3A_172 = arith.constant 0 : i32
        %dma_wait3A_173 = tpu.memref_slice %arg6[%add3A_168, %dma_wait3A, %dma_wait3A_172] : memref<8x2560x128xf32, #tpu.memory_space<hbm>> -> memref<1x2560x128xf32, #tpu.memory_space<hbm>>
        %dma_wait3A_174 = tpu.memref_squeeze %dma_wait3A_173 : memref<1x2560x128xf32, #tpu.memory_space<hbm>> -> memref<2560x128xf32, #tpu.memory_space<hbm>>
        tpu.wait_dma2 semaphore(%run_scoped3A : memref<!tpu.dma_semaphore, #tpu.memory_space<semaphore_mem>>) src(%arg10 : memref<2560x128xf32, #tpu.memory_space<vmem_shared>>) dst(%dma_wait3A_174 : memref<2560x128xf32, #tpu.memory_space<hbm>>)
        tpu.yield
      }) : () -> ()
    }
    %while3A_120 = arith.constant 1 : i32
    scf.for %while3A_165 = %while3A_118 to %while3A_114 step %while3A_120  : i32 {
      %mul3A = arith.constant 4 : i32
      %mul3A_166 = arith.muli %arg0, %mul3A : i32
      %add3A_167 = arith.constant 2 : i32
      %add3A_168 = arith.addi %mul3A_166, %add3A_167 : i32
      "tpu.region"() ({
        %run_scoped3A = tpu.sem_alloc : memref<!tpu.dma_semaphore, #tpu.memory_space<semaphore_mem>>
        %dma_start3A = arith.constant 0 : i32
        %dma_start3A_169 = arith.constant 0 : i32
        %dma_start3A_170 = tpu.memref_slice %arg6[%add3A_168, %dma_start3A, %dma_start3A_169] : memref<8x2560x128xf32, #tpu.memory_space<hbm>> -> memref<1x2560x128xf32, #tpu.memory_space<hbm>>
        %dma_start3A_171 = tpu.memref_squeeze %dma_start3A_170 : memref<1x2560x128xf32, #tpu.memory_space<hbm>> -> memref<2560x128xf32, #tpu.memory_space<hbm>>
        tpu.enqueue_dma source(%arg10 : memref<2560x128xf32, #tpu.memory_space<vmem_shared>>) target(%dma_start3A_171 : memref<2560x128xf32, #tpu.memory_space<hbm>>) target_semaphore(%run_scoped3A : memref<!tpu.dma_semaphore, #tpu.memory_space<semaphore_mem>>)
        %dma_wait3A = arith.constant 0 : i32
        %dma_wait3A_172 = arith.constant 0 : i32
        %dma_wait3A_173 = tpu.memref_slice %arg6[%add3A_168, %dma_wait3A, %dma_wait3A_172] : memref<8x2560x128xf32, #tpu.memory_space<hbm>> -> memref<1x2560x128xf32, #tpu.memory_space<hbm>>
        %dma_wait3A_174 = tpu.memref_squeeze %dma_wait3A_173 : memref<1x2560x128xf32, #tpu.memory_space<hbm>> -> memref<2560x128xf32, #tpu.memory_space<hbm>>
        tpu.wait_dma2 semaphore(%run_scoped3A : memref<!tpu.dma_semaphore, #tpu.memory_space<semaphore_mem>>) src(%arg10 : memref<2560x128xf32, #tpu.memory_space<vmem_shared>>) dst(%dma_wait3A_174 : memref<2560x128xf32, #tpu.memory_space<hbm>>)
        tpu.yield
      }) : () -> ()
    }
    %barrier3A_121 = arith.constant 0 : index
    tpu.barrier barrier_id(%barrier3A_121)
    %add3A_122 = arith.constant 48 : i32
    %add3A_123 = arith.addi %add3A_122, %arg1 : i32
    "tpu.region"() ({
      %run_scoped3A = tpu.sem_alloc : memref<!tpu.dma_semaphore, #tpu.memory_space<semaphore_mem>>
      %dma_start3A = arith.constant 0 : i32
      %dma_start3A_165 = arith.constant 0 : i32
      %dma_start3A_166 = tpu.memref_slice %arg3[%add3A_123, %dma_start3A, %dma_start3A_165] : memref<64x80x128xi32, #tpu.memory_space<hbm>> -> memref<1x80x128xi32, #tpu.memory_space<hbm>>
      %dma_start3A_167 = tpu.memref_squeeze %dma_start3A_166 : memref<1x80x128xi32, #tpu.memory_space<hbm>> -> memref<80x128xi32, #tpu.memory_space<hbm>>
      %dma_start3A_168 = arith.constant 0 : i32
      %dma_start3A_169 = arith.constant 0 : i32
      %dma_start3A_170 = tpu.memref_slice %arg3[%add3A_123, %dma_start3A_168, %dma_start3A_169] : memref<64x80x128xi32, #tpu.memory_space<hbm>> -> memref<1x80x128xi32, #tpu.memory_space<hbm>>
      %dma_start3A_171 = tpu.memref_squeeze %dma_start3A_170 : memref<1x80x128xi32, #tpu.memory_space<hbm>> -> memref<80x128xi32, #tpu.memory_space<hbm>>
      tpu.enqueue_dma source(%dma_start3A_171 : memref<80x128xi32, #tpu.memory_space<hbm>>) target(%arg7 : memref<80x128xi32, #tpu.memory_space<vmem>>) target_semaphore(%run_scoped3A : memref<!tpu.dma_semaphore, #tpu.memory_space<semaphore_mem>>)
      %dma_wait3A = arith.constant 0 : i32
      %dma_wait3A_172 = arith.constant 0 : i32
      %dma_wait3A_173 = tpu.memref_slice %arg3[%add3A_123, %dma_wait3A, %dma_wait3A_172] : memref<64x80x128xi32, #tpu.memory_space<hbm>> -> memref<1x80x128xi32, #tpu.memory_space<hbm>>
      %dma_wait3A_174 = tpu.memref_squeeze %dma_wait3A_173 : memref<1x80x128xi32, #tpu.memory_space<hbm>> -> memref<80x128xi32, #tpu.memory_space<hbm>>
      %dma_wait3A_175 = arith.constant 0 : i32
      %dma_wait3A_176 = arith.constant 0 : i32
      %dma_wait3A_177 = tpu.memref_slice %arg3[%add3A_123, %dma_wait3A_175, %dma_wait3A_176] : memref<64x80x128xi32, #tpu.memory_space<hbm>> -> memref<1x80x128xi32, #tpu.memory_space<hbm>>
      %dma_wait3A_178 = tpu.memref_squeeze %dma_wait3A_177 : memref<1x80x128xi32, #tpu.memory_space<hbm>> -> memref<80x128xi32, #tpu.memory_space<hbm>>
      tpu.wait_dma2 semaphore(%run_scoped3A : memref<!tpu.dma_semaphore, #tpu.memory_space<semaphore_mem>>) src(%dma_wait3A_178 : memref<80x128xi32, #tpu.memory_space<hbm>>) dst(%arg7 : memref<80x128xi32, #tpu.memory_space<vmem>>)
      tpu.yield
    }) : () -> ()
    %add3A_124 = arith.constant 48 : i32
    %add3A_125 = arith.addi %add3A_124, %arg1 : i32
    "tpu.region"() ({
      %run_scoped3A = tpu.sem_alloc : memref<!tpu.dma_semaphore, #tpu.memory_space<semaphore_mem>>
      %dma_start3A = arith.constant 0 : i32
      %dma_start3A_165 = arith.constant 0 : i32
      %dma_start3A_166 = tpu.memref_slice %arg4[%add3A_125, %dma_start3A, %dma_start3A_165] : memref<64x80x128xi32, #tpu.memory_space<hbm>> -> memref<1x80x128xi32, #tpu.memory_space<hbm>>
      %dma_start3A_167 = tpu.memref_squeeze %dma_start3A_166 : memref<1x80x128xi32, #tpu.memory_space<hbm>> -> memref<80x128xi32, #tpu.memory_space<hbm>>
      %dma_start3A_168 = arith.constant 0 : i32
      %dma_start3A_169 = arith.constant 0 : i32
      %dma_start3A_170 = tpu.memref_slice %arg4[%add3A_125, %dma_start3A_168, %dma_start3A_169] : memref<64x80x128xi32, #tpu.memory_space<hbm>> -> memref<1x80x128xi32, #tpu.memory_space<hbm>>
      %dma_start3A_171 = tpu.memref_squeeze %dma_start3A_170 : memref<1x80x128xi32, #tpu.memory_space<hbm>> -> memref<80x128xi32, #tpu.memory_space<hbm>>
      tpu.enqueue_dma source(%dma_start3A_171 : memref<80x128xi32, #tpu.memory_space<hbm>>) target(%arg8 : memref<80x128xi32, #tpu.memory_space<vmem>>) target_semaphore(%run_scoped3A : memref<!tpu.dma_semaphore, #tpu.memory_space<semaphore_mem>>)
      %dma_wait3A = arith.constant 0 : i32
      %dma_wait3A_172 = arith.constant 0 : i32
      %dma_wait3A_173 = tpu.memref_slice %arg4[%add3A_125, %dma_wait3A, %dma_wait3A_172] : memref<64x80x128xi32, #tpu.memory_space<hbm>> -> memref<1x80x128xi32, #tpu.memory_space<hbm>>
      %dma_wait3A_174 = tpu.memref_squeeze %dma_wait3A_173 : memref<1x80x128xi32, #tpu.memory_space<hbm>> -> memref<80x128xi32, #tpu.memory_space<hbm>>
      %dma_wait3A_175 = arith.constant 0 : i32
      %dma_wait3A_176 = arith.constant 0 : i32
      %dma_wait3A_177 = tpu.memref_slice %arg4[%add3A_125, %dma_wait3A_175, %dma_wait3A_176] : memref<64x80x128xi32, #tpu.memory_space<hbm>> -> memref<1x80x128xi32, #tpu.memory_space<hbm>>
      %dma_wait3A_178 = tpu.memref_squeeze %dma_wait3A_177 : memref<1x80x128xi32, #tpu.memory_space<hbm>> -> memref<80x128xi32, #tpu.memory_space<hbm>>
      tpu.wait_dma2 semaphore(%run_scoped3A : memref<!tpu.dma_semaphore, #tpu.memory_space<semaphore_mem>>) src(%dma_wait3A_178 : memref<80x128xi32, #tpu.memory_space<hbm>>) dst(%arg8 : memref<80x128xi32, #tpu.memory_space<vmem>>)
      tpu.yield
    }) : () -> ()
    %eq3A_126 = arith.constant 0 : i32
    %eq3A_127 = arith.cmpi eq, %arg1, %eq3A_126 : i32
    %jit3A_128 = arith.constant 1 : i32
    %jit3A_129 = arith.constant 0 : i32
    %select_n3A_130 = arith.select %eq3A_127, %jit3A_128, %jit3A_129 : i32
    %while3A_131 = arith.constant 0 : i32
    %while3A_132 = arith.constant 0 : i32
    %while3A_133 = arith.subi %select_n3A_130, %while3A_132 : i32
    %while3A_134 = arith.addi %while3A_132, %while3A_133 : i32
    %while3A_135 = arith.constant 1 : i32
    %while3A_136 = arith.divsi %while3A_133, %while3A_135 : i32
    %while3A_137 = arith.muli %while3A_136, %while3A_135 : i32
    %while3A_138 = arith.addi %while3A_132, %while3A_137 : i32
    %while3A_139 = arith.constant 1 : i32
    scf.for %while3A_165 = %while3A_132 to %while3A_138 step %while3A_139  : i32 {
      "tpu.region"() ({
        %run_scoped3A = tpu.sem_alloc : memref<!tpu.dma_semaphore, #tpu.memory_space<semaphore_mem>>
        tpu.enqueue_dma source(%arg5 : memref<2560x128xf32, #tpu.memory_space<hbm>>) target(%arg10 : memref<2560x128xf32, #tpu.memory_space<vmem_shared>>) target_semaphore(%run_scoped3A : memref<!tpu.dma_semaphore, #tpu.memory_space<semaphore_mem>>)
        tpu.wait_dma2 semaphore(%run_scoped3A : memref<!tpu.dma_semaphore, #tpu.memory_space<semaphore_mem>>) src(%arg5 : memref<2560x128xf32, #tpu.memory_space<hbm>>) dst(%arg10 : memref<2560x128xf32, #tpu.memory_space<vmem_shared>>)
        tpu.yield
      }) : () -> ()
    }
    %while3A_140 = arith.constant 1 : i32
    scf.for %while3A_165 = %while3A_138 to %while3A_134 step %while3A_140  : i32 {
      "tpu.region"() ({
        %run_scoped3A = tpu.sem_alloc : memref<!tpu.dma_semaphore, #tpu.memory_space<semaphore_mem>>
        tpu.enqueue_dma source(%arg5 : memref<2560x128xf32, #tpu.memory_space<hbm>>) target(%arg10 : memref<2560x128xf32, #tpu.memory_space<vmem_shared>>) target_semaphore(%run_scoped3A : memref<!tpu.dma_semaphore, #tpu.memory_space<semaphore_mem>>)
        tpu.wait_dma2 semaphore(%run_scoped3A : memref<!tpu.dma_semaphore, #tpu.memory_space<semaphore_mem>>) src(%arg5 : memref<2560x128xf32, #tpu.memory_space<hbm>>) dst(%arg10 : memref<2560x128xf32, #tpu.memory_space<vmem_shared>>)
        tpu.yield
      }) : () -> ()
    }
    %barrier3A_141 = arith.constant 0 : index
    tpu.barrier barrier_id(%barrier3A_141)
    %scan3A_142 = arith.constant 0 : i32
    %scan3A_143 = arith.constant 0 : i32
    %scan3A_144 = arith.constant 80 : i32
    %scan3A_145 = arith.addi %scan3A_143, %scan3A_144 : i32
    %scan3A_146 = arith.constant 1 : i32
    scf.for %scan3A_165 = %scan3A_143 to %scan3A_145 step %scan3A_146  : i32 {
      %dma_start3A = arith.constant 0 : i32
      %dma_start3A_166 = tpu.memref_slice %arg7[%scan3A_165, %dma_start3A] : memref<80x128xi32, #tpu.memory_space<vmem>> -> memref<1x128xi32, #tpu.memory_space<vmem>>
      %dma_start3A_167 = tpu.memref_squeeze %dma_start3A_166 : memref<1x128xi32, #tpu.memory_space<vmem>> -> memref<128xi32, #tpu.memory_space<vmem>>
      %dma_start3A_168 = arith.constant 0 : i32
      %dma_start3A_169 = arith.constant 0 : i32
      %dma_start3A_170 = tpu.memref_slice %arg2[%arg0, %dma_start3A_168, %dma_start3A_169] : memref<2x10240x128xf32, #tpu.memory_space<hbm>> -> memref<1x10240x128xf32, #tpu.memory_space<hbm>>
      %dma_start3A_171 = tpu.memref_squeeze %dma_start3A_170 : memref<1x10240x128xf32, #tpu.memory_space<hbm>> -> memref<10240x128xf32, #tpu.memory_space<hbm>>
      %dma_start3A_172 = arith.constant 0 : i32
      %dma_start3A_173 = arith.constant 0 : i32
      %dma_start3A_174 = tpu.memref_slice %dma_start3A_171[%dma_start3A_172, %dma_start3A_173] : memref<10240x128xf32, #tpu.memory_space<hbm>> -> memref<10240x128xf32, #tpu.memory_space<hbm>>
      %dma_start3A_175 = arith.constant -1 : i32
      tpu.enqueue_indirect_dma source(%dma_start3A_174 : memref<10240x128xf32, #tpu.memory_space<hbm>>) target(%arg9 : memref<128x128xf32, #tpu.memory_space<vmem>>) offsets(%dma_start3A_167 : memref<128xi32, #tpu.memory_space<vmem>>) offset_filter(%dma_start3A_175) semaphore(%arg11 : memref<!tpu.dma_semaphore, #tpu.memory_space<semaphore_mem>>)
      %dma_wait3A = arith.constant 0 : i32
      %dma_wait3A_176 = tpu.memref_slice %arg7[%scan3A_165, %dma_wait3A] : memref<80x128xi32, #tpu.memory_space<vmem>> -> memref<1x128xi32, #tpu.memory_space<vmem>>
      %dma_wait3A_177 = tpu.memref_squeeze %dma_wait3A_176 : memref<1x128xi32, #tpu.memory_space<vmem>> -> memref<128xi32, #tpu.memory_space<vmem>>
      %dma_wait3A_178 = arith.constant 0 : i32
      %dma_wait3A_179 = arith.constant 0 : i32
      %dma_wait3A_180 = tpu.memref_slice %arg2[%arg0, %dma_wait3A_178, %dma_wait3A_179] : memref<2x10240x128xf32, #tpu.memory_space<hbm>> -> memref<1x10240x128xf32, #tpu.memory_space<hbm>>
      %dma_wait3A_181 = tpu.memref_squeeze %dma_wait3A_180 : memref<1x10240x128xf32, #tpu.memory_space<hbm>> -> memref<10240x128xf32, #tpu.memory_space<hbm>>
      %dma_wait3A_182 = arith.constant 0 : i32
      %dma_wait3A_183 = arith.constant 0 : i32
      %dma_wait3A_184 = tpu.memref_slice %dma_wait3A_181[%dma_wait3A_182, %dma_wait3A_183] : memref<10240x128xf32, #tpu.memory_space<hbm>> -> memref<10240x128xf32, #tpu.memory_space<hbm>>
      tpu.wait_indirect_dma semaphore(%arg11 : memref<!tpu.dma_semaphore, #tpu.memory_space<semaphore_mem>>) src(%dma_wait3A_184 : memref<10240x128xf32, #tpu.memory_space<hbm>>) dst(%arg9 : memref<128x128xf32, #tpu.memory_space<vmem>>)
      "tpu.region"() ({
        %run_scoped3A = tpu.sem_alloc : memref<!tpu.dma_semaphore, #tpu.memory_space<semaphore_mem>>
        %dma_start3A_185 = arith.constant 0 : i32
        %dma_start3A_186 = tpu.memref_slice %arg8[%scan3A_165, %dma_start3A_185] : memref<80x128xi32, #tpu.memory_space<vmem>> -> memref<1x128xi32, #tpu.memory_space<vmem>>
        %dma_start3A_187 = tpu.memref_squeeze %dma_start3A_186 : memref<1x128xi32, #tpu.memory_space<vmem>> -> memref<128xi32, #tpu.memory_space<vmem>>
        %dma_start3A_188 = arith.constant 0 : i32
        %dma_start3A_189 = arith.constant 0 : i32
        %dma_start3A_190 = tpu.memref_slice %arg10[%dma_start3A_188, %dma_start3A_189] : memref<2560x128xf32, #tpu.memory_space<vmem_shared>> -> memref<2560x128xf32, #tpu.memory_space<vmem_shared>>
        %dma_start3A_191 = arith.constant -1 : i32
        tpu.enqueue_indirect_dma source(%arg9 : memref<128x128xf32, #tpu.memory_space<vmem>>) target(%dma_start3A_190 : memref<2560x128xf32, #tpu.memory_space<vmem_shared>>) offsets(%dma_start3A_187 : memref<128xi32, #tpu.memory_space<vmem>>) offset_filter(%dma_start3A_191) semaphore(%run_scoped3A : memref<!tpu.dma_semaphore, #tpu.memory_space<semaphore_mem>>) {add = true}
        %dma_wait3A_192 = arith.constant 0 : i32
        %dma_wait3A_193 = tpu.memref_slice %arg8[%scan3A_165, %dma_wait3A_192] : memref<80x128xi32, #tpu.memory_space<vmem>> -> memref<1x128xi32, #tpu.memory_space<vmem>>
        %dma_wait3A_194 = tpu.memref_squeeze %dma_wait3A_193 : memref<1x128xi32, #tpu.memory_space<vmem>> -> memref<128xi32, #tpu.memory_space<vmem>>
        %dma_wait3A_195 = arith.constant 0 : i32
        %dma_wait3A_196 = arith.constant 0 : i32
        %dma_wait3A_197 = tpu.memref_slice %arg10[%dma_wait3A_195, %dma_wait3A_196] : memref<2560x128xf32, #tpu.memory_space<vmem_shared>> -> memref<2560x128xf32, #tpu.memory_space<vmem_shared>>
        tpu.wait_indirect_dma semaphore(%run_scoped3A : memref<!tpu.dma_semaphore, #tpu.memory_space<semaphore_mem>>) src(%arg9 : memref<128x128xf32, #tpu.memory_space<vmem>>) dst(%dma_wait3A_197 : memref<2560x128xf32, #tpu.memory_space<vmem_shared>>)
        tpu.yield
      }) : () -> ()
    }
    %scan3A_147 = arith.constant 80 : i32
    %barrier3A_148 = arith.constant 0 : index
    tpu.barrier barrier_id(%barrier3A_148)
    %eq3A_149 = arith.constant 0 : i32
    %eq3A_150 = arith.cmpi eq, %arg1, %eq3A_149 : i32
    %jit3A_151 = arith.constant 1 : i32
    %jit3A_152 = arith.constant 0 : i32
    %select_n3A_153 = arith.select %eq3A_150, %jit3A_151, %jit3A_152 : i32
    %while3A_154 = arith.constant 0 : i32
    %while3A_155 = arith.constant 0 : i32
    %while3A_156 = arith.subi %select_n3A_153, %while3A_155 : i32
    %while3A_157 = arith.addi %while3A_155, %while3A_156 : i32
    %while3A_158 = arith.constant 1 : i32
    %while3A_159 = arith.divsi %while3A_156, %while3A_158 : i32
    %while3A_160 = arith.muli %while3A_159, %while3A_158 : i32
    %while3A_161 = arith.addi %while3A_155, %while3A_160 : i32
    %while3A_162 = arith.constant 1 : i32
    scf.for %while3A_165 = %while3A_155 to %while3A_161 step %while3A_162  : i32 {
      %mul3A = arith.constant 4 : i32
      %mul3A_166 = arith.muli %arg0, %mul3A : i32
      %add3A_167 = arith.constant 3 : i32
      %add3A_168 = arith.addi %mul3A_166, %add3A_167 : i32
      "tpu.region"() ({
        %run_scoped3A = tpu.sem_alloc : memref<!tpu.dma_semaphore, #tpu.memory_space<semaphore_mem>>
        %dma_start3A = arith.constant 0 : i32
        %dma_start3A_169 = arith.constant 0 : i32
        %dma_start3A_170 = tpu.memref_slice %arg6[%add3A_168, %dma_start3A, %dma_start3A_169] : memref<8x2560x128xf32, #tpu.memory_space<hbm>> -> memref<1x2560x128xf32, #tpu.memory_space<hbm>>
        %dma_start3A_171 = tpu.memref_squeeze %dma_start3A_170 : memref<1x2560x128xf32, #tpu.memory_space<hbm>> -> memref<2560x128xf32, #tpu.memory_space<hbm>>
        tpu.enqueue_dma source(%arg10 : memref<2560x128xf32, #tpu.memory_space<vmem_shared>>) target(%dma_start3A_171 : memref<2560x128xf32, #tpu.memory_space<hbm>>) target_semaphore(%run_scoped3A : memref<!tpu.dma_semaphore, #tpu.memory_space<semaphore_mem>>)
        %dma_wait3A = arith.constant 0 : i32
        %dma_wait3A_172 = arith.constant 0 : i32
        %dma_wait3A_173 = tpu.memref_slice %arg6[%add3A_168, %dma_wait3A, %dma_wait3A_172] : memref<8x2560x128xf32, #tpu.memory_space<hbm>> -> memref<1x2560x128xf32, #tpu.memory_space<hbm>>
        %dma_wait3A_174 = tpu.memref_squeeze %dma_wait3A_173 : memref<1x2560x128xf32, #tpu.memory_space<hbm>> -> memref<2560x128xf32, #tpu.memory_space<hbm>>
        tpu.wait_dma2 semaphore(%run_scoped3A : memref<!tpu.dma_semaphore, #tpu.memory_space<semaphore_mem>>) src(%arg10 : memref<2560x128xf32, #tpu.memory_space<vmem_shared>>) dst(%dma_wait3A_174 : memref<2560x128xf32, #tpu.memory_space<hbm>>)
        tpu.yield
      }) : () -> ()
    }
    %while3A_163 = arith.constant 1 : i32
    scf.for %while3A_165 = %while3A_161 to %while3A_157 step %while3A_163  : i32 {
      %mul3A = arith.constant 4 : i32
      %mul3A_166 = arith.muli %arg0, %mul3A : i32
      %add3A_167 = arith.constant 3 : i32
      %add3A_168 = arith.addi %mul3A_166, %add3A_167 : i32
      "tpu.region"() ({
        %run_scoped3A = tpu.sem_alloc : memref<!tpu.dma_semaphore, #tpu.memory_space<semaphore_mem>>
        %dma_start3A = arith.constant 0 : i32
        %dma_start3A_169 = arith.constant 0 : i32
        %dma_start3A_170 = tpu.memref_slice %arg6[%add3A_168, %dma_start3A, %dma_start3A_169] : memref<8x2560x128xf32, #tpu.memory_space<hbm>> -> memref<1x2560x128xf32, #tpu.memory_space<hbm>>
        %dma_start3A_171 = tpu.memref_squeeze %dma_start3A_170 : memref<1x2560x128xf32, #tpu.memory_space<hbm>> -> memref<2560x128xf32, #tpu.memory_space<hbm>>
        tpu.enqueue_dma source(%arg10 : memref<2560x128xf32, #tpu.memory_space<vmem_shared>>) target(%dma_start3A_171 : memref<2560x128xf32, #tpu.memory_space<hbm>>) target_semaphore(%run_scoped3A : memref<!tpu.dma_semaphore, #tpu.memory_space<semaphore_mem>>)
        %dma_wait3A = arith.constant 0 : i32
        %dma_wait3A_172 = arith.constant 0 : i32
        %dma_wait3A_173 = tpu.memref_slice %arg6[%add3A_168, %dma_wait3A, %dma_wait3A_172] : memref<8x2560x128xf32, #tpu.memory_space<hbm>> -> memref<1x2560x128xf32, #tpu.memory_space<hbm>>
        %dma_wait3A_174 = tpu.memref_squeeze %dma_wait3A_173 : memref<1x2560x128xf32, #tpu.memory_space<hbm>> -> memref<2560x128xf32, #tpu.memory_space<hbm>>
        tpu.wait_dma2 semaphore(%run_scoped3A : memref<!tpu.dma_semaphore, #tpu.memory_space<semaphore_mem>>) src(%arg10 : memref<2560x128xf32, #tpu.memory_space<vmem_shared>>) dst(%dma_wait3A_174 : memref<2560x128xf32, #tpu.memory_space<hbm>>)
        tpu.yield
      }) : () -> ()
    }
    %barrier3A_164 = arith.constant 0 : index
    tpu.barrier barrier_id(%barrier3A_164)
    return
  }
}

module attributes {stable_mosaic.version = 14 : i64} {
  func.func @_mm_body(%arg0: i32, %arg1: memref<400x1152xf32, #tpu.memory_space<vmem>>, %arg2: memref<1152x256xf32, #tpu.memory_space<vmem>>, %arg3: memref<2x400x16xf32, #tpu.memory_space<vmem>>, %arg4: memref<2x400x128xf32, #tpu.memory_space<vmem>>) attributes {dimension_semantics = [#tpu.dimension_semantics<arbitrary>], iteration_bounds = array<i64: 25>, scalar_prefetch = 0 : i64, scratch_operands = 0 : i64, tpu.core_type = #tpu.core_type<tc>, window_params = [{transform_indices = @transform_0, window_bounds = array<i64: 400, 1152>}, {pipeline_mode = #tpu.pipeline_mode<synchronous>, transform_indices = @transform_1, window_bounds = array<i64: 1152, 256>}, {transform_indices = @transform_2, window_bounds = array<i64: 2, 400, 16>}, {transform_indices = @transform_3, window_bounds = array<i64: 2, 400, 128>}]} {
    %get3A = arith.constant 0 : index
    %get3A_0 = arith.constant 0 : index
    %get3A_1 = arith.constant 0 : index
    %get3A_2 = vector.load %arg3[%get3A, %get3A_0, %get3A_1] : memref<2x400x16xf32, #tpu.memory_space<vmem>>, vector<1x400x1xf32>
    %get3A_3 = vector.shape_cast %get3A_2 : vector<1x400x1xf32> to vector<400x1xf32>
    %get3A_4 = arith.constant 1 : index
    %get3A_5 = arith.constant 0 : index
    %get3A_6 = arith.constant 0 : index
    %get3A_7 = vector.load %arg3[%get3A_4, %get3A_5, %get3A_6] : memref<2x400x16xf32, #tpu.memory_space<vmem>>, vector<1x400x1xf32>
    %get3A_8 = vector.shape_cast %get3A_7 : vector<1x400x1xf32> to vector<400x1xf32>
    %add3A = arith.addf %get3A_3, %get3A_8 : vector<400x1xf32>
    %add3A_9 = arith.constant 1.000000e+00 : f32
    %add3A_10 = vector.broadcast %add3A_9 : f32 to vector<400x1xf32>
    %add3A_11 = arith.addf %add3A, %add3A_10 : vector<400x1xf32>
    %rsqrt3A = math.rsqrt %add3A_11 : vector<400x1xf32>
    %get3A_12 = arith.constant 0 : index
    %get3A_13 = arith.constant 0 : index
    %get3A_14 = vector.load %arg1[%get3A_12, %get3A_13] : memref<400x1152xf32, #tpu.memory_space<vmem>>, vector<400x1152xf32>
    %get3A_15 = arith.constant 0 : index
    %get3A_16 = arith.constant 0 : index
    %get3A_17 = vector.load %arg2[%get3A_15, %get3A_16] : memref<1152x256xf32, #tpu.memory_space<vmem>>, vector<1152x256xf32>
    %dot_general3A = arith.constant dense<0.000000e+00> : vector<400x256xf32>
    %dot_general3A_18 = tpu.matmul %get3A_14, %get3A_17, %dot_general3A {dimension_numbers = #tpu.dot_dimension_numbers<[1], [0], [0], [1], [0, 0, 1, 1], [], []>, transpose_lhs_hint = false} : vector<400x1152xf32>, vector<1152x256xf32>, vector<400x256xf32> -> vector<400x256xf32>
    %mul3A = vector.broadcast %rsqrt3A : vector<400x1xf32> to vector<400x256xf32>
    %mul3A_19 = arith.mulf %dot_general3A_18, %mul3A : vector<400x256xf32>
    %slice3A = vector.extract_strided_slice %mul3A_19 {offsets = [0, 0], sizes = [400, 128], strides = [1, 1]} : vector<400x256xf32> to vector<400x128xf32>
    %swap3A = arith.constant 0 : index
    %swap3A_20 = arith.constant 0 : index
    %swap3A_21 = arith.constant 0 : index
    %swap3A_22 = vector.load %arg4[%swap3A, %swap3A_20, %swap3A_21] : memref<2x400x128xf32, #tpu.memory_space<vmem>>, vector<1x400x128xf32>
    %swap3A_23 = vector.shape_cast %swap3A_22 : vector<1x400x128xf32> to vector<400x128xf32>
    %swap3A_24 = vector.shape_cast %slice3A : vector<400x128xf32> to vector<1x400x128xf32>
    tpu.vector_store %arg4[%swap3A, %swap3A_20, %swap3A_21], %swap3A_24 {strides = array<i32>} : memref<2x400x128xf32, #tpu.memory_space<vmem>>, vector<1x400x128xf32>,
    %slice3A_25 = vector.extract_strided_slice %mul3A_19 {offsets = [0, 128], sizes = [400, 128], strides = [1, 1]} : vector<400x256xf32> to vector<400x128xf32>
    %swap3A_26 = arith.constant 1 : index
    %swap3A_27 = arith.constant 0 : index
    %swap3A_28 = arith.constant 0 : index
    %swap3A_29 = vector.load %arg4[%swap3A_26, %swap3A_27, %swap3A_28] : memref<2x400x128xf32, #tpu.memory_space<vmem>>, vector<1x400x128xf32>
    %swap3A_30 = vector.shape_cast %swap3A_29 : vector<1x400x128xf32> to vector<400x128xf32>
    %swap3A_31 = vector.shape_cast %slice3A_25 : vector<400x128xf32> to vector<1x400x128xf32>
    tpu.vector_store %arg4[%swap3A_26, %swap3A_27, %swap3A_28], %swap3A_31 {strides = array<i32>} : memref<2x400x128xf32, #tpu.memory_space<vmem>>, vector<1x400x128xf32>,
    return
  }
  func.func @transform_0(%arg0: i32) -> (i32, i32) {
    %c0_i32 = arith.constant 0 : i32
    %c0_i32_0 = arith.constant 0 : i32
    return %arg0, %c0_i32 : i32, i32
  }
  func.func @transform_1(%arg0: i32) -> (i32, i32) {
    %c0_i32 = arith.constant 0 : i32
    %c0_i32_0 = arith.constant 0 : i32
    %c0_i32_1 = arith.constant 0 : i32
    return %c0_i32, %c0_i32_0 : i32, i32
  }
  func.func @transform_2(%arg0: i32) -> (i32, i32, i32) {
    %c0_i32 = arith.constant 0 : i32
    %c0_i32_0 = arith.constant 0 : i32
    %c0_i32_1 = arith.constant 0 : i32
    return %c0_i32, %arg0, %c0_i32_0 : i32, i32, i32
  }
  func.func @transform_3(%arg0: i32) -> (i32, i32, i32) {
    %c0_i32 = arith.constant 0 : i32
    %c0_i32_0 = arith.constant 0 : i32
    %c0_i32_1 = arith.constant 0 : i32
    return %c0_i32, %arg0, %c0_i32_0 : i32, i32, i32
  }
}

module attributes {stable_mosaic.version = 14 : i64} {
  func.func @_post_body(%arg0: i32, %arg1: memref<2x400x128xf32, #tpu.memory_space<vmem>>, %arg2: memref<2x400x128xf32, #tpu.memory_space<vmem>>, %arg3: memref<2x400x16xf32, #tpu.memory_space<vmem>>, %arg4: memref<1x1x400xi32, #tpu.memory_space<vmem>>, %arg5: memref<1x256xf32, #tpu.memory_space<vmem>>, %arg6: memref<256x10xf32, #tpu.memory_space<vmem>>, %arg7: memref<1x10xf32, #tpu.memory_space<vmem>>, %arg8: memref<64x10xf32, #tpu.memory_space<vmem>>, %arg9: memref<64x256xf32, #tpu.memory_space<vmem>>, %arg10: memref<64x1xf32, #tpu.memory_space<vmem>>) attributes {dimension_semantics = [#tpu.dimension_semantics<arbitrary>], iteration_bounds = array<i64: 25>, scalar_prefetch = 0 : i64, scratch_operands = 2 : i64, tpu.core_type = #tpu.core_type<tc>, window_params = [{transform_indices = @transform_0, window_bounds = array<i64: 2, 400, 128>}, {transform_indices = @transform_1, window_bounds = array<i64: 2, 400, 128>}, {transform_indices = @transform_2, window_bounds = array<i64: 2, 400, 16>}, {transform_indices = @transform_3, window_bounds = array<i64: 1, 1, 400>}, {pipeline_mode = #tpu.pipeline_mode<synchronous>, transform_indices = @transform_4, window_bounds = array<i64: 1, 256>}, {pipeline_mode = #tpu.pipeline_mode<synchronous>, transform_indices = @transform_5, window_bounds = array<i64: 256, 10>}, {pipeline_mode = #tpu.pipeline_mode<synchronous>, transform_indices = @transform_6, window_bounds = array<i64: 1, 10>}, {pipeline_mode = #tpu.pipeline_mode<synchronous>, transform_indices = @transform_7, window_bounds = array<i64: 64, 10>}]} {
    %eq3A = arith.constant 0 : i32
    %eq3A_0 = arith.cmpi eq, %arg0, %eq3A : i32
    %convert_element_type3A = arith.extui %eq3A_0 : i1 to i32
    %cond3A = arith.constant 0 : i32
    %cond3A_1 = arith.cmpi ne, %convert_element_type3A, %cond3A : i32
    scf.if %cond3A_1 {
      %broadcast_in_dim3A_74 = arith.constant 0.000000e+00 : f32
      %broadcast_in_dim3A_75 = vector.broadcast %broadcast_in_dim3A_74 : f32 to vector<64x256xf32>
      %swap3A_76 = arith.constant 0 : index
      %swap3A_77 = arith.constant 0 : index
      %swap3A_78 = vector.load %arg9[%swap3A_76, %swap3A_77] : memref<64x256xf32, #tpu.memory_space<vmem>>, vector<64x256xf32>
      tpu.vector_store %arg9[%swap3A_76, %swap3A_77], %broadcast_in_dim3A_75 {strides = array<i32>} : memref<64x256xf32, #tpu.memory_space<vmem>>, vector<64x256xf32>,
      %broadcast_in_dim3A_79 = arith.constant 0.000000e+00 : f32
      %broadcast_in_dim3A_80 = vector.broadcast %broadcast_in_dim3A_79 : f32 to vector<64x1xf32>
      %swap3A_81 = arith.constant 0 : index
      %swap3A_82 = arith.constant 0 : index
      %swap3A_83 = vector.load %arg10[%swap3A_81, %swap3A_82] : memref<64x1xf32, #tpu.memory_space<vmem>>, vector<64x1xf32>
      tpu.vector_store %arg10[%swap3A_81, %swap3A_82], %broadcast_in_dim3A_80 {strides = array<i32>} : memref<64x1xf32, #tpu.memory_space<vmem>>, vector<64x1xf32>,
    } else {
    }
    %get3A = arith.constant 0 : index
    %get3A_2 = arith.constant 0 : index
    %get3A_3 = arith.constant 0 : index
    %get3A_4 = vector.load %arg3[%get3A, %get3A_2, %get3A_3] : memref<2x400x16xf32, #tpu.memory_space<vmem>>, vector<1x400x1xf32>
    %get3A_5 = vector.shape_cast %get3A_4 : vector<1x400x1xf32> to vector<400x1xf32>
    %get3A_6 = arith.constant 1 : index
    %get3A_7 = arith.constant 0 : index
    %get3A_8 = arith.constant 0 : index
    %get3A_9 = vector.load %arg3[%get3A_6, %get3A_7, %get3A_8] : memref<2x400x16xf32, #tpu.memory_space<vmem>>, vector<1x400x1xf32>
    %get3A_10 = vector.shape_cast %get3A_9 : vector<1x400x1xf32> to vector<400x1xf32>
    %add3A = arith.addf %get3A_5, %get3A_10 : vector<400x1xf32>
    %add3A_11 = arith.constant 1.000000e+00 : f32
    %add3A_12 = vector.broadcast %add3A_11 : f32 to vector<400x1xf32>
    %add3A_13 = arith.addf %add3A, %add3A_12 : vector<400x1xf32>
    %rsqrt3A = math.rsqrt %add3A_13 : vector<400x1xf32>
    %get3A_14 = arith.constant 0 : index
    %get3A_15 = arith.constant 0 : index
    %get3A_16 = arith.constant 0 : index
    %get3A_17 = vector.load %arg1[%get3A_14, %get3A_15, %get3A_16] : memref<2x400x128xf32, #tpu.memory_space<vmem>>, vector<1x400x128xf32>
    %get3A_18 = vector.shape_cast %get3A_17 : vector<1x400x128xf32> to vector<400x128xf32>
    %get3A_19 = arith.constant 0 : index
    %get3A_20 = arith.constant 0 : index
    %get3A_21 = arith.constant 0 : index
    %get3A_22 = vector.load %arg2[%get3A_19, %get3A_20, %get3A_21] : memref<2x400x128xf32, #tpu.memory_space<vmem>>, vector<1x400x128xf32>
    %get3A_23 = vector.shape_cast %get3A_22 : vector<1x400x128xf32> to vector<400x128xf32>
    %add3A_24 = arith.addf %get3A_18, %get3A_23 : vector<400x128xf32>
    %get3A_25 = arith.constant 1 : index
    %get3A_26 = arith.constant 0 : index
    %get3A_27 = arith.constant 0 : index
    %get3A_28 = vector.load %arg1[%get3A_25, %get3A_26, %get3A_27] : memref<2x400x128xf32, #tpu.memory_space<vmem>>, vector<1x400x128xf32>
    %get3A_29 = vector.shape_cast %get3A_28 : vector<1x400x128xf32> to vector<400x128xf32>
    %get3A_30 = arith.constant 1 : index
    %get3A_31 = arith.constant 0 : index
    %get3A_32 = arith.constant 0 : index
    %get3A_33 = vector.load %arg2[%get3A_30, %get3A_31, %get3A_32] : memref<2x400x128xf32, #tpu.memory_space<vmem>>, vector<1x400x128xf32>
    %get3A_34 = vector.shape_cast %get3A_33 : vector<1x400x128xf32> to vector<400x128xf32>
    %add3A_35 = arith.addf %get3A_29, %get3A_34 : vector<400x128xf32>
    %concatenate3A = tpu.concatenate %add3A_24, %add3A_35 in 1 : vector<400x128xf32>, vector<400x128xf32> -> vector<400x256xf32>
    %mul3A = vector.broadcast %rsqrt3A : vector<400x1xf32> to vector<400x256xf32>
    %mul3A_36 = arith.mulf %concatenate3A, %mul3A : vector<400x256xf32>
    %get3A_37 = arith.constant 0 : index
    %get3A_38 = arith.constant 0 : index
    %get3A_39 = vector.load %arg5[%get3A_37, %get3A_38] : memref<1x256xf32, #tpu.memory_space<vmem>>, vector<1x256xf32>
    %add3A_40 = vector.broadcast %get3A_39 : vector<1x256xf32> to vector<400x256xf32>
    %add3A_41 = arith.addf %mul3A_36, %add3A_40 : vector<400x256xf32>
    %max3A = arith.constant 0.000000e+00 : f32
    %max3A_42 = vector.broadcast %max3A : f32 to vector<400x256xf32>
    %max3A_43 = arith.maximumf %add3A_41, %max3A_42 : vector<400x256xf32>
    %iota3A = tpu.iota {dimensions = array<i32: 0>} : vector<64x1xi32>
    %get3A_44 = arith.constant 0 : index
    %get3A_45 = arith.constant 0 : index
    %get3A_46 = arith.constant 0 : index
    %get3A_47 = vector.load %arg4[%get3A_44, %get3A_45, %get3A_46] : memref<1x1x400xi32, #tpu.memory_space<vmem>>, vector<1x1x400xi32>
    %get3A_48 = vector.shape_cast %get3A_47 : vector<1x1x400xi32> to vector<1x400xi32>
    %eq3A_49 = vector.broadcast %get3A_48 : vector<1x400xi32> to vector<64x400xi32>
    %eq3A_50 = vector.broadcast %iota3A : vector<64x1xi32> to vector<64x400xi32>
    %eq3A_51 = arith.cmpi eq, %eq3A_49, %eq3A_50 : vector<64x400xi32>
    %convert_element_type3A_52 = arith.extui %eq3A_51 : vector<64x400xi1> to vector<64x400xi32>
    %convert_element_type3A_53 = arith.sitofp %convert_element_type3A_52 : vector<64x400xi32> to vector<64x400xf32>
    %get3A_54 = arith.constant 0 : index
    %get3A_55 = arith.constant 0 : index
    %get3A_56 = vector.load %arg9[%get3A_54, %get3A_55] : memref<64x256xf32, #tpu.memory_space<vmem>>, vector<64x256xf32>
    %dot_general3A = arith.constant dense<0.000000e+00> : vector<64x256xf32>
    %dot_general3A_57 = tpu.matmul %convert_element_type3A_53, %max3A_43, %dot_general3A {dimension_numbers = #tpu.dot_dimension_numbers<[1], [0], [0], [1], [0, 0, 1, 1], [], []>, transpose_lhs_hint = false} : vector<64x400xf32>, vector<400x256xf32>, vector<64x256xf32> -> vector<64x256xf32>
    %add3A_58 = arith.addf %get3A_56, %dot_general3A_57 : vector<64x256xf32>
    %swap3A = arith.constant 0 : index
    %swap3A_59 = arith.constant 0 : index
    %swap3A_60 = vector.load %arg9[%swap3A, %swap3A_59] : memref<64x256xf32, #tpu.memory_space<vmem>>, vector<64x256xf32>
    tpu.vector_store %arg9[%swap3A, %swap3A_59], %add3A_58 {strides = array<i32>} : memref<64x256xf32, #tpu.memory_space<vmem>>, vector<64x256xf32>,
    %get3A_61 = arith.constant 0 : index
    %get3A_62 = arith.constant 0 : index
    %get3A_63 = vector.load %arg10[%get3A_61, %get3A_62] : memref<64x1xf32, #tpu.memory_space<vmem>>, vector<64x1xf32>
    %reduce_sum3A = arith.constant dense<0.000000e+00> : vector<64xf32>
    %reduce_sum3A_64 = vector.multi_reduction <add>, %convert_element_type3A_53, %reduce_sum3A [1] : vector<64x400xf32> to vector<64xf32>
    %broadcast_in_dim3A = vector.shape_cast %reduce_sum3A_64 : vector<64xf32> to vector<64x1xf32>
    %add3A_65 = arith.addf %get3A_63, %broadcast_in_dim3A : vector<64x1xf32>
    %swap3A_66 = arith.constant 0 : index
    %swap3A_67 = arith.constant 0 : index
    %swap3A_68 = vector.load %arg10[%swap3A_66, %swap3A_67] : memref<64x1xf32, #tpu.memory_space<vmem>>, vector<64x1xf32>
    tpu.vector_store %arg10[%swap3A_66, %swap3A_67], %add3A_65 {strides = array<i32>} : memref<64x1xf32, #tpu.memory_space<vmem>>, vector<64x1xf32>,
    %eq3A_69 = arith.constant 24 : i32
    %eq3A_70 = arith.cmpi eq, %arg0, %eq3A_69 : i32
    %convert_element_type3A_71 = arith.extui %eq3A_70 : i1 to i32
    %cond3A_72 = arith.constant 0 : i32
    %cond3A_73 = arith.cmpi ne, %convert_element_type3A_71, %cond3A_72 : i32
    scf.if %cond3A_73 {
      %get3A_74 = arith.constant 0 : index
      %get3A_75 = arith.constant 0 : index
      %get3A_76 = vector.load %arg9[%get3A_74, %get3A_75] : memref<64x256xf32, #tpu.memory_space<vmem>>, vector<64x256xf32>
      %get3A_77 = arith.constant 0 : index
      %get3A_78 = arith.constant 0 : index
      %get3A_79 = vector.load %arg10[%get3A_77, %get3A_78] : memref<64x1xf32, #tpu.memory_space<vmem>>, vector<64x1xf32>
      %max3A_80 = arith.constant 1.000000e+00 : f32
      %max3A_81 = vector.broadcast %max3A_80 : f32 to vector<64x1xf32>
      %max3A_82 = arith.maximumf %get3A_79, %max3A_81 : vector<64x1xf32>
      %div3A = vector.broadcast %max3A_82 : vector<64x1xf32> to vector<64x256xf32>
      %div3A_83 = arith.divf %get3A_76, %div3A : vector<64x256xf32>
      %get3A_84 = arith.constant 0 : index
      %get3A_85 = arith.constant 0 : index
      %get3A_86 = vector.load %arg6[%get3A_84, %get3A_85] : memref<256x10xf32, #tpu.memory_space<vmem>>, vector<256x10xf32>
      %dot_general3A_87 = arith.constant dense<0.000000e+00> : vector<64x10xf32>
      %dot_general3A_88 = tpu.matmul %div3A_83, %get3A_86, %dot_general3A_87 {dimension_numbers = #tpu.dot_dimension_numbers<[1], [0], [0], [1], [0, 0, 1, 1], [], []>, transpose_lhs_hint = false} : vector<64x256xf32>, vector<256x10xf32>, vector<64x10xf32> -> vector<64x10xf32>
      %get3A_89 = arith.constant 0 : index
      %get3A_90 = arith.constant 0 : index
      %get3A_91 = vector.load %arg7[%get3A_89, %get3A_90] : memref<1x10xf32, #tpu.memory_space<vmem>>, vector<1x10xf32>
      %add3A_92 = vector.broadcast %get3A_91 : vector<1x10xf32> to vector<64x10xf32>
      %add3A_93 = arith.addf %dot_general3A_88, %add3A_92 : vector<64x10xf32>
      %swap3A_94 = arith.constant 0 : index
      %swap3A_95 = arith.constant 0 : index
      %swap3A_96 = vector.load %arg8[%swap3A_94, %swap3A_95] : memref<64x10xf32, #tpu.memory_space<vmem>>, vector<64x10xf32>
      tpu.vector_store %arg8[%swap3A_94, %swap3A_95], %add3A_93 {strides = array<i32>} : memref<64x10xf32, #tpu.memory_space<vmem>>, vector<64x10xf32>,
    } else {
    }
    return
  }
  func.func @transform_0(%arg0: i32) -> (i32, i32, i32) {
    %c0_i32 = arith.constant 0 : i32
    %c0_i32_0 = arith.constant 0 : i32
    %c0_i32_1 = arith.constant 0 : i32
    return %c0_i32, %arg0, %c0_i32_0 : i32, i32, i32
  }
  func.func @transform_1(%arg0: i32) -> (i32, i32, i32) {
    %c0_i32 = arith.constant 0 : i32
    %c0_i32_0 = arith.constant 0 : i32
    %c0_i32_1 = arith.constant 0 : i32
    return %c0_i32, %arg0, %c0_i32_0 : i32, i32, i32
  }
  func.func @transform_2(%arg0: i32) -> (i32, i32, i32) {
    %c0_i32 = arith.constant 0 : i32
    %c0_i32_0 = arith.constant 0 : i32
    %c0_i32_1 = arith.constant 0 : i32
    return %c0_i32, %arg0, %c0_i32_0 : i32, i32, i32
  }
  func.func @transform_3(%arg0: i32) -> (i32, i32, i32) {
    %c0_i32 = arith.constant 0 : i32
    %c0_i32_0 = arith.constant 0 : i32
    %c0_i32_1 = arith.constant 0 : i32
    return %arg0, %c0_i32, %c0_i32_0 : i32, i32, i32
  }
  func.func @transform_4(%arg0: i32) -> (i32, i32) {
    %c0_i32 = arith.constant 0 : i32
    %c0_i32_0 = arith.constant 0 : i32
    %c0_i32_1 = arith.constant 0 : i32
    return %c0_i32, %c0_i32_0 : i32, i32
  }
  func.func @transform_5(%arg0: i32) -> (i32, i32) {
    %c0_i32 = arith.constant 0 : i32
    %c0_i32_0 = arith.constant 0 : i32
    %c0_i32_1 = arith.constant 0 : i32
    return %c0_i32, %c0_i32_0 : i32, i32
  }
  func.func @transform_6(%arg0: i32) -> (i32, i32) {
    %c0_i32 = arith.constant 0 : i32
    %c0_i32_0 = arith.constant 0 : i32
    %c0_i32_1 = arith.constant 0 : i32
    return %c0_i32, %c0_i32_0 : i32, i32
  }
  func.func @transform_7(%arg0: i32) -> (i32, i32) {
    %c0_i32 = arith.constant 0 : i32
    %c0_i32_0 = arith.constant 0 : i32
    %c0_i32_1 = arith.constant 0 : i32
    return %c0_i32, %c0_i32_0 : i32, i32
  }
}

</mosaic_0001>

<sc_bundles>
// kernel: kernel.5.cloned.1.call-start
scs
__scs_entry_jumppad:
0x0: {  	(pc) =	sbr.rel $0x88, $3  }
0x1: {  	(tag) =	ssettag $0x0;
	lr =	simm.s32 $0x1  }
0x2: {  	[smem:$0x3F9A] =	sst lr;
	_ =	strace $0xD0000000  }
0x3: {  	_ = 	snop  }
0x4: {  	_ = 	snop  }
0x5: {  	_ = 	snop  }
0x6: {  	_ = 	snop  }
0x7: {  	_ = 	snop  }
__scs_overlays_trampoline_lowered:
0x8: {  	[smem:$0x3FA9] =	sst s0  }
0x9: {  	[smem:$0x3FAA] =	sst s1  }
0xa: {  	[smem:$0x3FAB] =	sst s2  }
0xb: {  	[smem:$0x3FAC] =	sst s3  }
0xc: {  	[smem:$0x3FAD] =	sst s4  }
0xd: {  	[smem:$0x3FAE] =	sst s5  }
0xe: {  	[smem:$0x3FAF] =	sst s6  }
0xf: {  	[smem:$0x3FB0] =	sst s7  }
0x10: {  	[smem:$0x3FB1] =	sst s8  }
0x11: {  	[smem:$0x3FB2] =	sst s9;
	s0 =	simm.s32 @!p0 $0x0  }
0x12: {  	s1 =	sld [smem:$0x3F98];
	s0 =	simm.s32 @p0 $0x1  }
0x13: {  	[smem:$0x3FB3] =	sst s0;
	s0 =	simm.s32 @!p1 $0x0  }
0x14: {  	s2 =	sld [smem:$0x3F97];
	s0 =	simm.s32 @p1 $0x1  }
0x15: {  	[smem:$0x3FB4] =	sst s0;
	s0 =	simm.s32 @!p2 $0x0  }
0x16: {  	s3 =	sld [smem:$0x3FDB];
	s0 =	simm.s32 @p2 $0x1  }
0x17: {  	s4 =	simm.s32 $0x1BF5;
	[smem:$0x3FB6] =	sst s0  }
0x18: {  	s0 =	sld [smem:$0x3F99];
	_ =	swait.ge [sflag:s4], $0x0  }
0x19: {  	s7 =	sld [smem:$0x3F9A]  }
0x1a: {  	s8 =	sadd.s32 $0xFFFFE003, lr  }
0x1b: {  	s9 =	sadd.s32 $0xFFFFFEF7, lr;
	s5 =	simm.s32 $0xFFFFFFFF;
	p2 =	slt.u32 s8, $0xFFFFF086  }
0x1c: {  	p1 =	slt.u32 s9, $0xF7A;
	s5 =	simm.s32 @!p2 $0x0  }
0x1d: {  	s5 =	simm.s32 @p1 $0x1;
	p0 =	seq.s32 s7, s2  }
0x1e: {  	s7 =	smul.u32 @!p0 $0xF7A, s2;
	p2 =	seq.s32 @!p0 s5, $0x0  }
0x1f: {  	s9 =	smul.u32 $0xF7A, s1;
	s8 =	simm.s32 @!p0 $0x1BF5;
	p2 =	por !p2, p0  }
0x20: {  	[sflag:s8] =	ssyncset.s32 @!p0 $0xFFFFF086;
	s6 =	sadd.s32 @!p0 s3, s7;
	s7 =	simm.s32 @!p0 $0x108  }
0x21: {  	s3 =	sadd.s32 s3, s9;
	s6 =	sadd.s32 @!p0 $0x88, s6;
	s7 =	simm.s32 @p2 $0x1082  }
0x22: {  	[simem:s7], [sflag:s8] =	dma.local @!p0 [hbm:s6], $0xF7A  }
0x23: {  	s9 =	sor.u32 $0xD0000000, s2;
	s6 =	simm.s32 $0x108;
	_ =	swait.ge @!p0 [sflag:s8], $0x0  }
0x24: {  	s3 =	sadd.s32 $0x88, s3;
	s6 =	simm.s32 @!p1 $0x1082;
	[sflag:s4] =	ssyncset.s32 $0xFFFFF086  }
0x25: {  	[simem:s6], [sflag:s4] =	dma.local [hbm:s3], $0xF7A  }
0x26: {  	[smem:$0x3F9A] =	sst s1;
	(tag) =	ssettag s2;
	_ =	strace s9  }
0x27: {  	s1 =	sld [smem:$0x3FAA]  }
0x28: {  	s2 =	sld [smem:$0x3FAB]  }
0x29: {  	s4 =	sld [smem:$0x3FAD]  }
0x2a: {  	p0 =	seq.s32 s5, $0x0;
	s5 =	sld [smem:$0x3FAE]  }
0x2b: {  	s6 =	sld [smem:$0x3FAF]  }
0x2c: {  	s7 =	sld [smem:$0x3FB0]  }
0x2d: {  	s3 =	simm.s32 $0x108;
	s8 =	sld [smem:$0x3FB1]  }
0x2e: {  	s3 =	simm.s32 @!p0 $0x1082;
	s9 =	sld [smem:$0x3FB2]  }
0x2f: {  	lr =	sadd.s32 s0, s3;
	s0 =	sld [smem:$0x3FA9]  }
0x30: {  	s3 =	sld [smem:$0x3FAC]  }
0x31: {  	[smem:$0x3FB5] =	sst s10  }
0x32: {  	s10 =	sld [smem:$0x3FB3];
	_ =	sdelay $0x3  }
0x33: {  	p0 =	seq.s32 s10, $0x1;
	s10 =	sld [smem:$0x3FB5];
	_ =	sdelay $0x3  }
0x34: {  	[smem:$0x3FB5] =	sst s10  }
0x35: {  	s10 =	sld [smem:$0x3FB4];
	_ =	sdelay $0x3  }
0x36: {  	p1 =	seq.s32 s10, $0x1;
	s10 =	sld [smem:$0x3FB5];
	_ =	sdelay $0x3  }
0x37: {  	[smem:$0x3FB5] =	sst s10  }
0x38: {  	s10 =	sld [smem:$0x3FB6]  }
0x39: {  	_ = 	snop;
	(pc) =	sbr.ind lr, $3  }
0x3a: {  	_ = 	snop  }
0x3b: {  	_ = 	snop  }
0x3c: {  	p2 =	seq.s32 s10, $0x1;
	s10 =	sld [smem:$0x3FB5]  }
0x3d: {  	_ =	shalt  }
0x3e: {  	_ =	shalt  }
0x3f: {  	_ =	shalt  }
0x40: {  	_ =	shalt  }
0x41: {  	_ =	shalt  }
0x42: {  	_ =	shalt  }
0x43: {  	_ =	shalt  }
0x44: {  	_ =	shalt  }
0x45: {  	_ =	shalt  }
0x46: {  	_ =	shalt  }
0x47: {  	_ =	shalt  }
0x48: {  	_ =	shalt  }
0x49: {  	_ =	shalt  }
0x4a: {  	_ =	shalt  }
0x4b: {  	_ =	shalt  }
0x4c: {  	_ =	shalt  }
0x4d: {  	_ =	shalt  }
0x4e: {  	_ =	shalt  }
0x4f: {  	_ =	shalt  }
0x50: {  	_ =	shalt  }
0x51: {  	_ =	shalt  }
0x52: {  	_ =	shalt  }
0x53: {  	_ =	shalt  }
0x54: {  	_ =	shalt  }
0x55: {  	_ =	shalt  }
0x56: {  	_ =	shalt  }
0x57: {  	_ =	shalt  }
0x58: {  	_ =	shalt  }
0x59: {  	_ =	shalt  }
0x5a: {  	_ =	shalt  }
0x5b: {  	_ =	shalt  }
0x5c: {  	_ =	shalt  }
0x5d: {  	_ =	shalt  }
0x5e: {  	_ =	shalt  }
0x5f: {  	_ =	shalt  }
0x60: {  	_ =	shalt  }
0x61: {  	_ =	shalt  }
0x62: {  	_ =	shalt  }
0x63: {  	_ =	shalt  }
0x64: {  	_ =	shalt  }
0x65: {  	_ =	shalt  }
0x66: {  	_ =	shalt  }
0x67: {  	_ =	shalt  }
0x68: {  	_ =	shalt  }
0x69: {  	_ =	shalt  }
0x6a: {  	_ =	shalt  }
0x6b: {  	_ =	shalt  }
0x6c: {  	_ =	shalt  }
0x6d: {  	_ =	shalt  }
0x6e: {  	_ =	shalt  }
0x6f: {  	_ =	shalt  }
0x70: {  	_ =	shalt  }
0x71: {  	_ =	shalt  }
0x72: {  	_ =	shalt  }
0x73: {  	_ =	shalt  }
0x74: {  	_ =	shalt  }
0x75: {  	_ =	shalt  }
0x76: {  	_ =	shalt  }
0x77: {  	_ =	shalt  }
0x78: {  	_ =	shalt  }
0x79: {  	_ =	shalt  }
0x7a: {  	_ =	shalt  }
0x7b: {  	_ =	shalt  }
0x7c: {  	_ =	shalt  }
0x7d: {  	_ =	shalt  }
0x7e: {  	_ =	shalt  }
0x7f: {  	_ =	shalt  }
0x80: {  	_ =	shalt  }
0x81: {  	_ =	shalt  }
0x82: {  	_ =	shalt  }
0x83: {  	_ =	shalt  }
0x84: {  	_ =	shalt  }
0x85: {  	_ =	shalt  }
0x86: {  	_ =	shalt  }
0x87: {  	_ =	shalt  }
.Lfunc_end0:
.L_simem_size_0:
called_computation.1_lowered:
.L_overlay_start_0:
0x88: {  	s2 =	sld [smem:$0x3FD9]  }
0x89: {  	s3 =	sld [smem:$0x3FFE];
	_ =	sdelay $0x1  }
0x8a: {  	s1 =	srdreg.scid  }
0x8b: {  	s0 =	sand.u32 $0x1, s1  }
0x8c: {  	s16 =	sshll.u32 s0, $0xA;
	s2 =	sadd.s32 s3, s2  }
0x8d: {  	s2 =	sadd.s32 s2, s16  }
0x8e: {  	[smem:$0x3FC1] =	sst s2  }
0x8f: {  	_ = 	snop  }
0x90: {  	(tm) =	ssettm $0x1  }
0x91: {  	s17 =	sld [smem:$0x3FFB];
	_ =	sdelay $0x3  }
0x92: {  	_ =	strace s17  }
0x93: {  	s2 =	sld [smem:$0x3FFC];
	_ =	sdelay $0x3  }
0x94: {  	_ =	strace s2  }
0x95: {  	s2 =	sld [smem:$0x3FFD];
	_ =	sdelay $0x3  }
0x96: {  	_ =	strace s2  }
0x97: {  	_ =	strace $0x8FFFFFFF  }
0x98: {  	s18 =	sld [smem:$0x3FDB];
	_ =	sdelay $0x1  }
0x99: {  	s19 =	simm.s32 $_scs_section_size  }
0x9a: {  	s4 =	simm.s32 $_size__tile_overlayer_lowered;
	s5 =	simm.s32 $_tile_overlayer_lowered  }
0x9b: {  	s22 =	simm.s32 $0x1BFF;
	s21 =	sshll.u32 s5, $0x1;
	s2 =	sadd.s32 s19, s18  }
0x9c: {  	s6 =	simm.s32 $0x0;
	s20 =	sshll.u32 s4, $0x1;
	s4 =	sadd.s32 s21, s2  }
0x9d: {  	[timem:s6], [sflag:s22] =	dma.local [hbm:s4], s20  }
0x9e: {  	_ =	swait.ge [sflag:s22], s20  }
0x9f: {  	s3 =	ssub.s32 $0x0, s20;
	[sflag:s22] =	ssyncset.done $0x0  }
0xa0: {  	[sflag:s22] =	ssyncadd.s32 s3;
	_ =	sdelay $0x1  }
0xa1: {  	s23 =	simm.s32 $0x1B8B  }
0xa2: {  	_ =	swait.ge [sflag:s23], $0x1  }
0xa3: {  	[sflag:s23] =	ssyncset.done $0x0  }
0xa4: {  	s25 =	simm.s32 $0x1B8E;
	s24 =	sld [smem:$0x3FFE];
	[sflag:s23] =	ssyncadd.s32 $0xFFFFFFFF  }
0xa5: {  	s26 =	simm.s32 $execute0_lowered;
	[smem:$0x3FD2] =	sst s25  }
0xa6: {  	s4 =	sshll.u32 s26, $0x1;
	_ =	strace $0x80000049;
	[dreg:$0x1] =	wrdreg $0xFFFFFFFF  }
0xa7: {  	s28 =	simm.s32 $_size_execute0_lowered;
	s2 =	sadd.s32 s2, s4;
	[dreg:$0x0] =	wrdreg $0x0  }
0xa8: {  	s4 =	sshll.u32 s28, $0x1;
	[dreg:$0x2] =	wrdreg s2  }
0xa9: {  	[dreg:$0x3] =	wrdreg s4  }
0xaa: {  	[dreg:$0x4] =	wrdreg $0xC0  }
0xab: {  	_ =	task [dreg:s6], $0x5FFFF  }
0xac: {  	[dreg:$0x1] =	wrdreg $0xFFFFFFFF  }
0xad: {  	[dreg:$0x0] =	wrdreg $0x60  }
0xae: {  	[dreg:$0x2] =	wrdreg s24  }
0xaf: {  	[dreg:$0x3] =	wrdreg $0x90000  }
0xb0: {  	[dreg:$0x4] =	wrdreg $0x9  }
0xb1: {  	_ =	task.clear_ibuf [dreg:s6], $0x5FFFF;
	_ =	strace $0x90000049  }
0xb2: {  	s29 =	simm.s32 $0x9;
	_ =	strace $0x8000004B  }
0xb3: {  	_ =	swait.ge [sflag:s29], $0x1  }
0xb4: {  	[sflag:s29] =	ssyncadd.s32 $0xFFFFFFFF  }
0xb5: {  	_ =	strace $0x9000004B  }
0xb6: {  	_ =	sfence  }
0xb7: {  	s30 =	sld [smem:$0x0];
	_ =	sdelay $0x2  }
0xb8: {  	s31 =	sshll.u32 s1, $0xD;
	s1 =	sshrl.u32 s1, $0x2  }
0xb9: {  	s3 =	sand.u32 $0x4000, s31;
	s1 =	sadd.s32 s1, s30  }
0xba: {  	s0 =	sor.u32 s3, s0;
	s1 =	sshll.u32 s1, $0x11  }
0xbb: {  	s0 =	sor.u32 s1, s0  }
0xbc: {  	s0 =	sadd.s32 $0x8F2B, s0  }
0xbd: {  	[sflag:s0] =	ssyncadd.remote.s32 $0x1  }
0xbe: {  	_ =	sfence.sel $0xFFFF  }
0xbf: {  	[dreg:$0x0] =	wrdreg $0xFFFFFFFF;
	(pc) =	sbr.abs _section_cstart, $3  }
0xc0: {  	[dreg:$0x1] =	wrdreg $0xFFFFFFFF  }
0xc1: {  	_ =	task.clear_ibuf [dreg:s6], $0x2FFFF;
	_ =	strace $0x9FFFFFFF  }
0xc2: {  	(tm) =	ssettm $0x7FFFFFFF  }
0xc3: {  	_ =	shalt  }
tec
execute0_lowered:
.L_overlay_start_1:
0x0: {  	(tag) =	ssettag $0x1  }
0x1: {  	s4 =	rddreg [dreg:$0x0]  }
0x2: {  	s1 =	rddreg [dreg:$0x1];
	s3 =	srdreg.scid  }
0x3: {  	s0 =	rddreg [dreg:$0x2];
	s2 =	simm.s32 $0x0;
	s18 =	stileid.u32  }
0x4: {  	s20 =	simm.s32 $0x80;
	s21 =	simm.s32 $0x5000;
	s22 =	simm.s32 $0x1  }
0x5: {  	s23 =	simm.s32 $0x0;
	s5 =	sand.u32 $0x1, s3;
	[smem:$0x7FF] =	sst s2  }
0x6: {  	s14 =	sadd.s32 $0xE00, s4;
	s15 =	sadd.s32 $0x1EE00, s4;
	s9 =	smul.u32 $0x500, s18  }
0x7: {  	s3 =	sadd.s32 $0xD2E00, s4;
	s11 =	smul.u32 $0x2800, s18;
	s12 =	sadd.s32 $0xDCE00, s4  }
0x8: {  	p0 =	sne.s32 s18, $0x0;
	s18 =	simm.s32 $0x2;
	s7 =	smul.u32 $0x28000, s5  }
0x9: {  	_ =	strace $0x8000004A;
	s8 =	ssub.s32 $0x2, s5;
	s28 =	smul.u32 $0x140000, s5  }
0xa: {  	s10 =	sshrl.u32 s8, $0x1;
	s5 =	sadd.s32 s15, s9;
	s13 =	sshrl.u32 s11, $0x3  }
0xb: {  	s6 =	sadd.s32 s7, s4;
	s17 =	ssub.s32 s8, s10;
	s4 =	sadd.s32 s14, s9  }
0xc: {  	s29 =	sadd.s32 $0x5000, s13;
	s30 =	sshrl.u32 s28, $0x3;
	s7 =	sadd.s32 s12, s7  }
0xd: {  	s31 =	sadd.s32 $0xA000, s13;
	s19 =	sadd.s32 $0xF000, s13;
	s6 =	sadd.s32 $0x82E00, s6  }
0xe: {  	s8 =	sadd.s32 s14, s29;
	s16 =	sadd.s32 s12, s30;
	s9 =	sadd.s32 s15, s29  }
0xf: {  	s11 =	sadd.s32 s14, s31;
	s12 =	sadd.s32 s15, s31;
	s14 =	sadd.s32 s14, s19  }
0x10: {  	s15 =	sadd.s32 s15, s19;
	s17 =	smax.u32 s17, $0x1;
	s19 =	simm.s32 $0x2800  }
0x11: {  	s10 =	sadd.s32 $0xA000, s16;
	s13 =	sadd.s32 $0x14000, s16;
	s16 =	sadd.s32 $0x1E000, s16  }
.LBB2_1:
0x12: {  	[tilespmem:s2], [sflag:$0x2] =	stream.linear.gather [hbm4b:s4+s2], $0x2800, $0x38;
	[tilespmem:$0xE000] =	vst v63  }
0x13: {  	_ =	swait.ge [sflag:s18], $0x2800  }
0x14: {  	[sflag:s18] =	ssyncset.done $0x0  }
0x15: {  	[sflag:s18] =	ssyncadd.s32 $0xFFFFD800  }
0x16: {  	[tilespmem:s19], [sflag:$0x2] =	stream.linear.gather [hbm4b:s5+s2], $0x2800, $0x38;
	[tilespmem:$0xE000] =	vst v63  }
0x17: {  	_ =	swait.ge [sflag:s18], $0x2800  }
0x18: {  	[sflag:s18] =	ssyncset.done $0x0  }
0x19: {  	s24 =	sshrl.u32 @!p0 s1, $0x3;
	s25 =	simm.s32 @!p0 $0x1C02;
	[sflag:s18] =	ssyncadd.s32 $0xFFFFD800  }
0x1a: {  	[spmem:s24], [sflag:s25] =	dma.local @!p0 [hbm:s3], $0xA000  }
0x1b: {  	s25 =	simm.s32 @!p0 $0x2  }
0x1c: {  	_ =	swait.ge @!p0 [sflag:s25], $0xA000  }
0x1d: {  	[sflag:s25] =	ssyncset.done @!p0 $0x0  }
0x1e: {  	[sflag:s25] =	ssyncadd.s32 @!p0 $0xFFFF6000  }
0x1f: {  	[bflag:$0x0] =	sbarrier.arrive $0xFFFF  }
0x20: {  	(ifvalue) =	ssetifvalue $0xFFFFFFFF  }
0x21: {  	s30 =	simm.s32 $0x0;
	(ifvalue) =	ssetifvalue $0xFFFFFFFF  }
0x22: {  	[tilespmem:s21], [sflag:$0x1] =	stream.indirect.gather [hbm4b:s6+s20], $0x80, s30, s20, $0x40b8;
	[tilespmem:$0xE000] =	vst v63  }
0x23: {  	_ =	swait.ge [sflag:s22], $0x4000  }
0x24: {  	[sflag:s22] =	ssyncset.done $0x0  }
0x25: {  	s31 =	simm.s32 $0x2800;
	[sflag:s22] =	ssyncadd.s32 $0xFFFFC000;
	(ifvalue) =	ssetifvalue $0xFFFFFFFF  }
0x26: {  	[spmem:s1] =	stream.indirect.scatter.add.f32 [tilespmem:s21], [sflag:$0x2], $0x80, s31, s20, $0x40b8;
	[tilespmem:$0xE000] =	vst v63  }
0x27: {  	s26 =	simm.s32 $0x400;
	_ =	swait.ge [sflag:s18], $0x4000  }
0x28: {  	s25 =	simm.s32 $0x80;
	(ifvalue) =	ssetifvalue $0xFFFFFFFF;
	[sflag:s18] =	ssyncset.done $0x0  }
.LBB2_2:
0x29: {  	s28 =	sshra.s32 s26, $0x2;
	(ifvalue) =	ssetifvalue $0xFFFFFFFF;
	[sflag:s18] =	ssyncadd.s32 $0xFFFFC000  }
0x2a: {  	[tilespmem:s21], [sflag:$0x1] =	stream.indirect.gather [hbm4b:s6+s20], $0x80, s25, s20, $0x40b8;
	[tilespmem:$0xE000] =	vst v63  }
0x2b: {  	p1 =	sne.s32 s26, $0x9E00;
	s26 =	sadd.s32 $0x200, s26;
	_ =	swait.ge [sflag:s22], $0x4000  }
0x2c: {  	[sflag:s22] =	ssyncset.done $0x0  }
.Ltmp0:
0x2d: {  	[sflag:s22] =	ssyncadd.s32 $0xFFFFC000;
	(pc) =	sbr.rel @p1 .LBB2_2-.Ltmp0, $4  }
0x2e: {  	s29 =	sadd.s32 $0x2800, s25;
	s25 =	smov.u32 s28;
	(ifvalue) =	ssetifvalue $0xFFFFFFFF  }
0x2f: {  	[spmem:s1] =	stream.indirect.scatter.add.f32 [tilespmem:s21], [sflag:$0x2], $0x80, s29, s20, $0x40b8;
	[tilespmem:$0xE000] =	vst v63  }
0x30: {  	_ =	swait.ge [sflag:s18], $0x4000  }
0x31: {  	(ifvalue) =	ssetifvalue $0xFFFFFFFF;
	[sflag:s18] =	ssyncset.done $0x0  }
0x32: {  	(ifvalue) =	ssetifvalue $0xFFFFFFFF;
	[sflag:s18] =	ssyncadd.s32 $0xFFFFC000  }
0x33: {  	[tilespmem:s21], [sflag:$0x1] =	stream.indirect.gather [hbm4b:s6+s20], $0x80, s25, s20, $0x40b8;
	[tilespmem:$0xE000] =	vst v63  }
0x34: {  	_ =	swait.ge [sflag:s22], $0x4000  }
0x35: {  	[sflag:s22] =	ssyncset.done $0x0  }
0x36: {  	s29 =	sadd.s32 $0x2800, s25;
	[sflag:s22] =	ssyncadd.s32 $0xFFFFC000;
	(ifvalue) =	ssetifvalue $0xFFFFFFFF  }
0x37: {  	[spmem:s1] =	stream.indirect.scatter.add.f32 [tilespmem:s21], [sflag:$0x2], $0x80, s29, s20, $0x40b8;
	[tilespmem:$0xE000] =	vst v63  }
0x38: {  	_ =	swait.ge [sflag:s18], $0x4000  }
0x39: {  	[sflag:s18] =	ssyncset.done $0x0  }
0x3a: {  	[sflag:s18] =	ssyncadd.s32 $0xFFFFC000  }
0x3b: {  	s26 =	simm.s32 @!p0 $0x2;
	s25 =	simm.s32 @!p0 $0x1C02;
	[bflag:$0x0] =	sbarrier.arrive $0xFFFF  }
0x3c: {  	[hbm:s7], [sflag:s25] =	dma.local @!p0 [spmem:s24], $0xA000  }
0x3d: {  	_ =	swait.ge @!p0 [sflag:s26], $0xA000  }
0x3e: {  	[sflag:s26] =	ssyncset.done @!p0 $0x0  }
0x3f: {  	[sflag:s26] =	ssyncadd.s32 @!p0 $0xFFFF6000  }
0x40: {  	[bflag:$0x0] =	sbarrier.arrive $0xFFFF  }
0x41: {  	[tilespmem:s2], [sflag:$0x2] =	stream.linear.gather [hbm4b:s8+s2], $0x2800, $0x38;
	[tilespmem:$0xE000] =	vst v63  }
0x42: {  	_ =	swait.ge [sflag:s18], $0x2800  }
0x43: {  	[sflag:s18] =	ssyncset.done $0x0  }
0x44: {  	[sflag:s18] =	ssyncadd.s32 $0xFFFFD800  }
0x45: {  	[tilespmem:s19], [sflag:$0x2] =	stream.linear.gather [hbm4b:s9+s2], $0x2800, $0x38;
	[tilespmem:$0xE000] =	vst v63  }
0x46: {  	_ =	swait.ge [sflag:s18], $0x2800  }
0x47: {  	[sflag:s18] =	ssyncset.done $0x0  }
0x48: {  	[sflag:s18] =	ssyncadd.s32 $0xFFFFD800  }
0x49: {  	[spmem:s24], [sflag:s25] =	dma.local @!p0 [hbm:s3], $0xA000  }
0x4a: {  	_ =	swait.ge @!p0 [sflag:s26], $0xA000  }
0x4b: {  	[sflag:s26] =	ssyncset.done @!p0 $0x0  }
0x4c: {  	[sflag:s26] =	ssyncadd.s32 @!p0 $0xFFFF6000  }
0x4d: {  	[bflag:$0x0] =	sbarrier.arrive $0xFFFF  }
0x4e: {  	(ifvalue) =	ssetifvalue $0xFFFFFFFF  }
0x4f: {  	s30 =	simm.s32 $0x0;
	(ifvalue) =	ssetifvalue $0xFFFFFFFF  }
0x50: {  	[tilespmem:s21], [sflag:$0x1] =	stream.indirect.gather [hbm4b:s6+s20], $0x80, s30, s20, $0x40b8;
	[tilespmem:$0xE000] =	vst v63  }
0x51: {  	_ =	swait.ge [sflag:s22], $0x4000  }
0x52: {  	[sflag:s22] =	ssyncset.done $0x0  }
0x53: {  	s31 =	simm.s32 $0x2800;
	[sflag:s22] =	ssyncadd.s32 $0xFFFFC000;
	(ifvalue) =	ssetifvalue $0xFFFFFFFF  }
0x54: {  	[spmem:s1] =	stream.indirect.scatter.add.f32 [tilespmem:s21], [sflag:$0x2], $0x80, s31, s20, $0x40b8;
	[tilespmem:$0xE000] =	vst v63  }
0x55: {  	s25 =	simm.s32 $0x80;
	_ =	swait.ge [sflag:s18], $0x4000  }
0x56: {  	s26 =	simm.s32 $0x400;
	(ifvalue) =	ssetifvalue $0xFFFFFFFF;
	[sflag:s18] =	ssyncset.done $0x0  }
.LBB2_4:
0x57: {  	s28 =	sshra.s32 s26, $0x2;
	(ifvalue) =	ssetifvalue $0xFFFFFFFF;
	[sflag:s18] =	ssyncadd.s32 $0xFFFFC000  }
0x58: {  	[tilespmem:s21], [sflag:$0x1] =	stream.indirect.gather [hbm4b:s6+s20], $0x80, s25, s20, $0x40b8;
	[tilespmem:$0xE000] =	vst v63  }
0x59: {  	p1 =	sne.s32 s26, $0x9E00;
	s26 =	sadd.s32 $0x200, s26;
	_ =	swait.ge [sflag:s22], $0x4000  }
0x5a: {  	[sflag:s22] =	ssyncset.done $0x0  }
.Ltmp1:
0x5b: {  	[sflag:s22] =	ssyncadd.s32 $0xFFFFC000;
	(pc) =	sbr.rel @p1 .LBB2_4-.Ltmp1, $4  }
0x5c: {  	s29 =	sadd.s32 $0x2800, s25;
	s25 =	smov.u32 s28;
	(ifvalue) =	ssetifvalue $0xFFFFFFFF  }
0x5d: {  	[spmem:s1] =	stream.indirect.scatter.add.f32 [tilespmem:s21], [sflag:$0x2], $0x80, s29, s20, $0x40b8;
	[tilespmem:$0xE000] =	vst v63  }
0x5e: {  	_ =	swait.ge [sflag:s18], $0x4000  }
0x5f: {  	(ifvalue) =	ssetifvalue $0xFFFFFFFF;
	[sflag:s18] =	ssyncset.done $0x0  }
0x60: {  	(ifvalue) =	ssetifvalue $0xFFFFFFFF;
	[sflag:s18] =	ssyncadd.s32 $0xFFFFC000  }
0x61: {  	[tilespmem:s21], [sflag:$0x1] =	stream.indirect.gather [hbm4b:s6+s20], $0x80, s25, s20, $0x40b8;
	[tilespmem:$0xE000] =	vst v63  }
0x62: {  	_ =	swait.ge [sflag:s22], $0x4000  }
0x63: {  	[sflag:s22] =	ssyncset.done $0x0  }
0x64: {  	s29 =	sadd.s32 $0x2800, s25;
	[sflag:s22] =	ssyncadd.s32 $0xFFFFC000;
	(ifvalue) =	ssetifvalue $0xFFFFFFFF  }
0x65: {  	[spmem:s1] =	stream.indirect.scatter.add.f32 [tilespmem:s21], [sflag:$0x2], $0x80, s29, s20, $0x40b8;
	[tilespmem:$0xE000] =	vst v63  }
0x66: {  	_ =	swait.ge [sflag:s18], $0x4000  }
0x67: {  	[sflag:s18] =	ssyncset.done $0x0  }
0x68: {  	[sflag:s18] =	ssyncadd.s32 $0xFFFFC000  }
0x69: {  	s26 =	simm.s32 @!p0 $0x2;
	s25 =	simm.s32 @!p0 $0x1C02;
	[bflag:$0x0] =	sbarrier.arrive $0xFFFF  }
0x6a: {  	[hbm:s10], [sflag:s25] =	dma.local @!p0 [spmem:s24], $0xA000  }
0x6b: {  	_ =	swait.ge @!p0 [sflag:s26], $0xA000  }
0x6c: {  	[sflag:s26] =	ssyncset.done @!p0 $0x0  }
0x6d: {  	[sflag:s26] =	ssyncadd.s32 @!p0 $0xFFFF6000  }
0x6e: {  	[bflag:$0x0] =	sbarrier.arrive $0xFFFF  }
0x6f: {  	[tilespmem:s2], [sflag:$0x2] =	stream.linear.gather [hbm4b:s11+s2], $0x2800, $0x38;
	[tilespmem:$0xE000] =	vst v63  }
0x70: {  	_ =	swait.ge [sflag:s18], $0x2800  }
0x71: {  	[sflag:s18] =	ssyncset.done $0x0  }
0x72: {  	[sflag:s18] =	ssyncadd.s32 $0xFFFFD800  }
0x73: {  	[tilespmem:s19], [sflag:$0x2] =	stream.linear.gather [hbm4b:s12+s2], $0x2800, $0x38;
	[tilespmem:$0xE000] =	vst v63  }
0x74: {  	_ =	swait.ge [sflag:s18], $0x2800  }
0x75: {  	[sflag:s18] =	ssyncset.done $0x0  }
0x76: {  	[sflag:s18] =	ssyncadd.s32 $0xFFFFD800  }
0x77: {  	[spmem:s24], [sflag:s25] =	dma.local @!p0 [hbm:s3], $0xA000  }
0x78: {  	_ =	swait.ge @!p0 [sflag:s26], $0xA000  }
0x79: {  	[sflag:s26] =	ssyncset.done @!p0 $0x0  }
0x7a: {  	[sflag:s26] =	ssyncadd.s32 @!p0 $0xFFFF6000  }
0x7b: {  	[bflag:$0x0] =	sbarrier.arrive $0xFFFF  }
0x7c: {  	(ifvalue) =	ssetifvalue $0xFFFFFFFF  }
0x7d: {  	s30 =	simm.s32 $0x0;
	(ifvalue) =	ssetifvalue $0xFFFFFFFF  }
0x7e: {  	[tilespmem:s21], [sflag:$0x1] =	stream.indirect.gather [hbm4b:s6+s20], $0x80, s30, s20, $0x40b8;
	[tilespmem:$0xE000] =	vst v63  }
0x7f: {  	_ =	swait.ge [sflag:s22], $0x4000  }
0x80: {  	[sflag:s22] =	ssyncset.done $0x0  }
0x81: {  	s31 =	simm.s32 $0x2800;
	[sflag:s22] =	ssyncadd.s32 $0xFFFFC000;
	(ifvalue) =	ssetifvalue $0xFFFFFFFF  }
0x82: {  	[spmem:s1] =	stream.indirect.scatter.add.f32 [tilespmem:s21], [sflag:$0x2], $0x80, s31, s20, $0x40b8;
	[tilespmem:$0xE000] =	vst v63  }
0x83: {  	s25 =	simm.s32 $0x80;
	_ =	swait.ge [sflag:s18], $0x4000  }
0x84: {  	s26 =	simm.s32 $0x400;
	(ifvalue) =	ssetifvalue $0xFFFFFFFF;
	[sflag:s18] =	ssyncset.done $0x0  }
.LBB2_6:
0x85: {  	s28 =	sshra.s32 s26, $0x2;
	(ifvalue) =	ssetifvalue $0xFFFFFFFF;
	[sflag:s18] =	ssyncadd.s32 $0xFFFFC000  }
0x86: {  	[tilespmem:s21], [sflag:$0x1] =	stream.indirect.gather [hbm4b:s6+s20], $0x80, s25, s20, $0x40b8;
	[tilespmem:$0xE000] =	vst v63  }
0x87: {  	p1 =	sne.s32 s26, $0x9E00;
	s26 =	sadd.s32 $0x200, s26;
	_ =	swait.ge [sflag:s22], $0x4000  }
0x88: {  	[sflag:s22] =	ssyncset.done $0x0  }
.Ltmp2:
0x89: {  	[sflag:s22] =	ssyncadd.s32 $0xFFFFC000;
	(pc) =	sbr.rel @p1 .LBB2_6-.Ltmp2, $4  }
0x8a: {  	s29 =	sadd.s32 $0x2800, s25;
	s25 =	smov.u32 s28;
	(ifvalue) =	ssetifvalue $0xFFFFFFFF  }
0x8b: {  	[spmem:s1] =	stream.indirect.scatter.add.f32 [tilespmem:s21], [sflag:$0x2], $0x80, s29, s20, $0x40b8;
	[tilespmem:$0xE000] =	vst v63  }
0x8c: {  	_ =	swait.ge [sflag:s18], $0x4000  }
0x8d: {  	(ifvalue) =	ssetifvalue $0xFFFFFFFF;
	[sflag:s18] =	ssyncset.done $0x0  }
0x8e: {  	(ifvalue) =	ssetifvalue $0xFFFFFFFF;
	[sflag:s18] =	ssyncadd.s32 $0xFFFFC000  }
0x8f: {  	[tilespmem:s21], [sflag:$0x1] =	stream.indirect.gather [hbm4b:s6+s20], $0x80, s25, s20, $0x40b8;
	[tilespmem:$0xE000] =	vst v63  }
0x90: {  	_ =	swait.ge [sflag:s22], $0x4000  }
0x91: {  	[sflag:s22] =	ssyncset.done $0x0  }
0x92: {  	s29 =	sadd.s32 $0x2800, s25;
	[sflag:s22] =	ssyncadd.s32 $0xFFFFC000;
	(ifvalue) =	ssetifvalue $0xFFFFFFFF  }
0x93: {  	[spmem:s1] =	stream.indirect.scatter.add.f32 [tilespmem:s21], [sflag:$0x2], $0x80, s29, s20, $0x40b8;
	[tilespmem:$0xE000] =	vst v63  }
0x94: {  	_ =	swait.ge [sflag:s18], $0x4000  }
0x95: {  	[sflag:s18] =	ssyncset.done $0x0  }
0x96: {  	[sflag:s18] =	ssyncadd.s32 $0xFFFFC000  }
0x97: {  	s26 =	simm.s32 @!p0 $0x2;
	s25 =	simm.s32 @!p0 $0x1C02;
	[bflag:$0x0] =	sbarrier.arrive $0xFFFF  }
0x98: {  	[hbm:s13], [sflag:s25] =	dma.local @!p0 [spmem:s24], $0xA000  }
0x99: {  	_ =	swait.ge @!p0 [sflag:s26], $0xA000  }
0x9a: {  	[sflag:s26] =	ssyncset.done @!p0 $0x0  }
0x9b: {  	[sflag:s26] =	ssyncadd.s32 @!p0 $0xFFFF6000  }
0x9c: {  	[bflag:$0x0] =	sbarrier.arrive $0xFFFF  }
0x9d: {  	[tilespmem:s2], [sflag:$0x2] =	stream.linear.gather [hbm4b:s14+s2], $0x2800, $0x38;
	[tilespmem:$0xE000] =	vst v63  }
0x9e: {  	_ =	swait.ge [sflag:s18], $0x2800  }
0x9f: {  	[sflag:s18] =	ssyncset.done $0x0  }
0xa0: {  	[sflag:s18] =	ssyncadd.s32 $0xFFFFD800  }
0xa1: {  	[tilespmem:s19], [sflag:$0x2] =	stream.linear.gather [hbm4b:s15+s2], $0x2800, $0x38;
	[tilespmem:$0xE000] =	vst v63  }
0xa2: {  	_ =	swait.ge [sflag:s18], $0x2800  }
0xa3: {  	[sflag:s18] =	ssyncset.done $0x0  }
0xa4: {  	[sflag:s18] =	ssyncadd.s32 $0xFFFFD800  }
0xa5: {  	[spmem:s24], [sflag:s25] =	dma.local @!p0 [hbm:s3], $0xA000  }
0xa6: {  	_ =	swait.ge @!p0 [sflag:s26], $0xA000  }
0xa7: {  	[sflag:s26] =	ssyncset.done @!p0 $0x0  }
0xa8: {  	[sflag:s26] =	ssyncadd.s32 @!p0 $0xFFFF6000  }
0xa9: {  	[bflag:$0x0] =	sbarrier.arrive $0xFFFF  }
0xaa: {  	(ifvalue) =	ssetifvalue $0xFFFFFFFF  }
0xab: {  	s30 =	simm.s32 $0x0;
	(ifvalue) =	ssetifvalue $0xFFFFFFFF  }
0xac: {  	[tilespmem:s21], [sflag:$0x1] =	stream.indirect.gather [hbm4b:s6+s20], $0x80, s30, s20, $0x40b8;
	[tilespmem:$0xE000] =	vst v63  }
0xad: {  	_ =	swait.ge [sflag:s22], $0x4000  }
0xae: {  	[sflag:s22] =	ssyncset.done $0x0  }
0xaf: {  	s31 =	simm.s32 $0x2800;
	[sflag:s22] =	ssyncadd.s32 $0xFFFFC000;
	(ifvalue) =	ssetifvalue $0xFFFFFFFF  }
0xb0: {  	[spmem:s1] =	stream.indirect.scatter.add.f32 [tilespmem:s21], [sflag:$0x2], $0x80, s31, s20, $0x40b8;
	[tilespmem:$0xE000] =	vst v63  }
0xb1: {  	s25 =	simm.s32 $0x80;
	_ =	swait.ge [sflag:s18], $0x4000  }
0xb2: {  	s26 =	simm.s32 $0x400;
	(ifvalue) =	ssetifvalue $0xFFFFFFFF;
	[sflag:s18] =	ssyncset.done $0x0  }
.LBB2_8:
0xb3: {  	s28 =	sshra.s32 s26, $0x2;
	(ifvalue) =	ssetifvalue $0xFFFFFFFF;
	[sflag:s18] =	ssyncadd.s32 $0xFFFFC000  }
0xb4: {  	[tilespmem:s21], [sflag:$0x1] =	stream.indirect.gather [hbm4b:s6+s20], $0x80, s25, s20, $0x40b8;
	[tilespmem:$0xE000] =	vst v63  }
0xb5: {  	p1 =	sne.s32 s26, $0x9E00;
	s26 =	sadd.s32 $0x200, s26;
	_ =	swait.ge [sflag:s22], $0x4000  }
0xb6: {  	[sflag:s22] =	ssyncset.done $0x0  }
.Ltmp3:
0xb7: {  	[sflag:s22] =	ssyncadd.s32 $0xFFFFC000;
	(pc) =	sbr.rel @p1 .LBB2_8-.Ltmp3, $4  }
0xb8: {  	s29 =	sadd.s32 $0x2800, s25;
	s25 =	smov.u32 s28;
	(ifvalue) =	ssetifvalue $0xFFFFFFFF  }
0xb9: {  	[spmem:s1] =	stream.indirect.scatter.add.f32 [tilespmem:s21], [sflag:$0x2], $0x80, s29, s20, $0x40b8;
	[tilespmem:$0xE000] =	vst v63  }
0xba: {  	_ =	swait.ge [sflag:s18], $0x4000  }
0xbb: {  	(ifvalue) =	ssetifvalue $0xFFFFFFFF;
	[sflag:s18] =	ssyncset.done $0x0  }
0xbc: {  	(ifvalue) =	ssetifvalue $0xFFFFFFFF;
	[sflag:s18] =	ssyncadd.s32 $0xFFFFC000  }
0xbd: {  	[tilespmem:s21], [sflag:$0x1] =	stream.indirect.gather [hbm4b:s6+s20], $0x80, s25, s20, $0x40b8;
	[tilespmem:$0xE000] =	vst v63  }
0xbe: {  	_ =	swait.ge [sflag:s22], $0x4000  }
0xbf: {  	[sflag:s22] =	ssyncset.done $0x0  }
0xc0: {  	s31 =	sadd.s32 $0x2800, s25;
	[sflag:s22] =	ssyncadd.s32 $0xFFFFC000;
	(ifvalue) =	ssetifvalue $0xFFFFFFFF  }
0xc1: {  	[spmem:s1] =	stream.indirect.scatter.add.f32 [tilespmem:s21], [sflag:$0x2], $0x80, s31, s20, $0x40b8;
	[tilespmem:$0xE000] =	vst v63  }
0xc2: {  	_ =	swait.ge [sflag:s18], $0x4000  }
0xc3: {  	[sflag:s18] =	ssyncset.done $0x0  }
0xc4: {  	[sflag:s18] =	ssyncadd.s32 $0xFFFFC000  }
0xc5: {  	s23 =	sadd.s32 $0x1, s23;
	s25 =	simm.s32 @!p0 $0x1C02;
	[bflag:$0x0] =	sbarrier.arrive $0xFFFF  }
0xc6: {  	[hbm:s16], [sflag:s25] =	dma.local @!p0 [spmem:s24], $0xA000  }
0xc7: {  	p1 =	sne.s32 s23, s17;
	s24 =	simm.s32 @!p0 $0x2  }
.Ltmp4:
0xc8: {  	_ =	swait.ge @!p0 [sflag:s24], $0xA000;
	(pc) =	sbr.rel @p1 .LBB2_1-.Ltmp4, $3  }
0xc9: {  	[sflag:s24] =	ssyncset.done @!p0 $0x0  }
0xca: {  	[sflag:s24] =	ssyncadd.s32 @!p0 $0xFFFF6000  }
0xcb: {  	[bflag:$0x0] =	sbarrier.arrive $0xFFFF;
	_ =	sdelay $0x1  }
0xcc: {  	_ =	sfence.sel $0x180000  }
0xcd: {  	[bflag:$0x0] =	sbarrier.arrive $0xFFFF  }
0xce: {  	_ =	strace $0x9000004A  }
0xcf: {  	s0 =	sadd.s32 @!p0 $0x100000, s0;
	[bflag:$0x2] =	sbarrier.arrive $0xFFFF  }
0xd0: {  	[sflag:s0] =	ssyncadd.tile.s32 @!p0 $0x1;
	_ =	shalt  }
.Lfunc_end2:
_tile_overlayer_lowered:
.L_overlay_start_2:
0xd1: {  	(tag) =	ssettag $0x2  }
0xd2: {  	s0 =	rddreg [dreg:$0x0];
	s2 =	stileid.u32  }
0xd3: {  	s1 =	rddreg [dreg:$0x1];
	p0 =	sne.s32 s2, $0x0  }
0xd4: {  	s3 =	rddreg [dreg:$0x2];
	[bflag:$0x3] =	sbarrier.arrive $0xFFFF;
	s2 =	simm.s32 @!p0 $0x1C02  }
0xd5: {  	[timem:s3], [sflag:s2] =	dma.local @!p0 [hbm:s0], s1  }
0xd6: {  	s0 =	simm.s32 @!p0 $0x2  }
0xd7: {  	_ =	swait.ge @!p0 [sflag:s0], s1  }
0xd8: {  	s1 =	ssub.s32 @!p0 $0x0, s1;
	[sflag:s0] =	ssyncset.done @!p0 $0x0  }
0xd9: {  	[sflag:s0] =	ssyncadd.s32 @!p0 s1  }
0xda: {  	[bflag:$0x3] =	sbarrier.arrive $0xFFFF  }
0xdb: {  	_ =	shalt  }

// kernel: scatter_offload_async_start
scs
__scs_entry_jumppad:
0x0: {  	(pc) =	sbr.rel $0x88, $3  }
0x1: {  	(tag) =	ssettag $0x0;
	lr =	simm.s32 $0x1  }
0x2: {  	[smem:$0x3F9A] =	sst lr;
	_ =	strace $0xD0000000  }
0x3: {  	_ = 	snop  }
0x4: {  	_ = 	snop  }
0x5: {  	_ = 	snop  }
0x6: {  	_ = 	snop  }
0x7: {  	_ = 	snop  }
__scs_overlays_trampoline_lowered:
0x8: {  	[smem:$0x3FA9] =	sst s0  }
0x9: {  	[smem:$0x3FAA] =	sst s1  }
0xa: {  	[smem:$0x3FAB] =	sst s2  }
0xb: {  	[smem:$0x3FAC] =	sst s3  }
0xc: {  	[smem:$0x3FAD] =	sst s4  }
0xd: {  	[smem:$0x3FAE] =	sst s5  }
0xe: {  	[smem:$0x3FAF] =	sst s6  }
0xf: {  	[smem:$0x3FB0] =	sst s7  }
0x10: {  	[smem:$0x3FB1] =	sst s8  }
0x11: {  	[smem:$0x3FB2] =	sst s9;
	s0 =	simm.s32 @!p0 $0x0  }
0x12: {  	s1 =	sld [smem:$0x3F98];
	s0 =	simm.s32 @p0 $0x1  }
0x13: {  	[smem:$0x3FB3] =	sst s0;
	s0 =	simm.s32 @!p1 $0x0  }
0x14: {  	s2 =	sld [smem:$0x3F97];
	s0 =	simm.s32 @p1 $0x1  }
0x15: {  	[smem:$0x3FB4] =	sst s0;
	s0 =	simm.s32 @!p2 $0x0  }
0x16: {  	s3 =	sld [smem:$0x3FDB];
	s0 =	simm.s32 @p2 $0x1  }
0x17: {  	s4 =	simm.s32 $0x1BF5;
	[smem:$0x3FB6] =	sst s0  }
0x18: {  	s0 =	sld [smem:$0x3F99];
	_ =	swait.ge [sflag:s4], $0x0  }
0x19: {  	s7 =	sld [smem:$0x3F9A]  }
0x1a: {  	s8 =	sadd.s32 $0xFFFFE003, lr  }
0x1b: {  	s9 =	sadd.s32 $0xFFFFFEF7, lr;
	s5 =	simm.s32 $0xFFFFFFFF;
	p2 =	slt.u32 s8, $0xFFFFF086  }
0x1c: {  	p1 =	slt.u32 s9, $0xF7A;
	s5 =	simm.s32 @!p2 $0x0  }
0x1d: {  	s5 =	simm.s32 @p1 $0x1;
	p0 =	seq.s32 s7, s2  }
0x1e: {  	s7 =	smul.u32 @!p0 $0xF7A, s2;
	p2 =	seq.s32 @!p0 s5, $0x0  }
0x1f: {  	s9 =	smul.u32 $0xF7A, s1;
	s8 =	simm.s32 @!p0 $0x1BF5;
	p2 =	por !p2, p0  }
0x20: {  	[sflag:s8] =	ssyncset.s32 @!p0 $0xFFFFF086;
	s6 =	sadd.s32 @!p0 s3, s7;
	s7 =	simm.s32 @!p0 $0x108  }
0x21: {  	s3 =	sadd.s32 s3, s9;
	s6 =	sadd.s32 @!p0 $0x88, s6;
	s7 =	simm.s32 @p2 $0x1082  }
0x22: {  	[simem:s7], [sflag:s8] =	dma.local @!p0 [hbm:s6], $0xF7A  }
0x23: {  	s9 =	sor.u32 $0xD0000000, s2;
	s6 =	simm.s32 $0x108;
	_ =	swait.ge @!p0 [sflag:s8], $0x0  }
0x24: {  	s3 =	sadd.s32 $0x88, s3;
	s6 =	simm.s32 @!p1 $0x1082;
	[sflag:s4] =	ssyncset.s32 $0xFFFFF086  }
0x25: {  	[simem:s6], [sflag:s4] =	dma.local [hbm:s3], $0xF7A  }
0x26: {  	[smem:$0x3F9A] =	sst s1;
	(tag) =	ssettag s2;
	_ =	strace s9  }
0x27: {  	s1 =	sld [smem:$0x3FAA]  }
0x28: {  	s2 =	sld [smem:$0x3FAB]  }
0x29: {  	s4 =	sld [smem:$0x3FAD]  }
0x2a: {  	p0 =	seq.s32 s5, $0x0;
	s5 =	sld [smem:$0x3FAE]  }
0x2b: {  	s6 =	sld [smem:$0x3FAF]  }
0x2c: {  	s7 =	sld [smem:$0x3FB0]  }
0x2d: {  	s3 =	simm.s32 $0x108;
	s8 =	sld [smem:$0x3FB1]  }
0x2e: {  	s3 =	simm.s32 @!p0 $0x1082;
	s9 =	sld [smem:$0x3FB2]  }
0x2f: {  	lr =	sadd.s32 s0, s3;
	s0 =	sld [smem:$0x3FA9]  }
0x30: {  	s3 =	sld [smem:$0x3FAC]  }
0x31: {  	[smem:$0x3FB5] =	sst s10  }
0x32: {  	s10 =	sld [smem:$0x3FB3];
	_ =	sdelay $0x3  }
0x33: {  	p0 =	seq.s32 s10, $0x1;
	s10 =	sld [smem:$0x3FB5];
	_ =	sdelay $0x3  }
0x34: {  	[smem:$0x3FB5] =	sst s10  }
0x35: {  	s10 =	sld [smem:$0x3FB4];
	_ =	sdelay $0x3  }
0x36: {  	p1 =	seq.s32 s10, $0x1;
	s10 =	sld [smem:$0x3FB5];
	_ =	sdelay $0x3  }
0x37: {  	[smem:$0x3FB5] =	sst s10  }
0x38: {  	s10 =	sld [smem:$0x3FB6]  }
0x39: {  	_ = 	snop;
	(pc) =	sbr.ind lr, $3  }
0x3a: {  	_ = 	snop  }
0x3b: {  	_ = 	snop  }
0x3c: {  	p2 =	seq.s32 s10, $0x1;
	s10 =	sld [smem:$0x3FB5]  }
0x3d: {  	_ =	shalt  }
0x3e: {  	_ =	shalt  }
0x3f: {  	_ =	shalt  }
0x40: {  	_ =	shalt  }
0x41: {  	_ =	shalt  }
0x42: {  	_ =	shalt  }
0x43: {  	_ =	shalt  }
0x44: {  	_ =	shalt  }
0x45: {  	_ =	shalt  }
0x46: {  	_ =	shalt  }
0x47: {  	_ =	shalt  }
0x48: {  	_ =	shalt  }
0x49: {  	_ =	shalt  }
0x4a: {  	_ =	shalt  }
0x4b: {  	_ =	shalt  }
0x4c: {  	_ =	shalt  }
0x4d: {  	_ =	shalt  }
0x4e: {  	_ =	shalt  }
0x4f: {  	_ =	shalt  }
0x50: {  	_ =	shalt  }
0x51: {  	_ =	shalt  }
0x52: {  	_ =	shalt  }
0x53: {  	_ =	shalt  }
0x54: {  	_ =	shalt  }
0x55: {  	_ =	shalt  }
0x56: {  	_ =	shalt  }
0x57: {  	_ =	shalt  }
0x58: {  	_ =	shalt  }
0x59: {  	_ =	shalt  }
0x5a: {  	_ =	shalt  }
0x5b: {  	_ =	shalt  }
0x5c: {  	_ =	shalt  }
0x5d: {  	_ =	shalt  }
0x5e: {  	_ =	shalt  }
0x5f: {  	_ =	shalt  }
0x60: {  	_ =	shalt  }
0x61: {  	_ =	shalt  }
0x62: {  	_ =	shalt  }
0x63: {  	_ =	shalt  }
0x64: {  	_ =	shalt  }
0x65: {  	_ =	shalt  }
0x66: {  	_ =	shalt  }
0x67: {  	_ =	shalt  }
0x68: {  	_ =	shalt  }
0x69: {  	_ =	shalt  }
0x6a: {  	_ =	shalt  }
0x6b: {  	_ =	shalt  }
0x6c: {  	_ =	shalt  }
0x6d: {  	_ =	shalt  }
0x6e: {  	_ =	shalt  }
0x6f: {  	_ =	shalt  }
0x70: {  	_ =	shalt  }
0x71: {  	_ =	shalt  }
0x72: {  	_ =	shalt  }
0x73: {  	_ =	shalt  }
0x74: {  	_ =	shalt  }
0x75: {  	_ =	shalt  }
0x76: {  	_ =	shalt  }
0x77: {  	_ =	shalt  }
0x78: {  	_ =	shalt  }
0x79: {  	_ =	shalt  }
0x7a: {  	_ =	shalt  }
0x7b: {  	_ =	shalt  }
0x7c: {  	_ =	shalt  }
0x7d: {  	_ =	shalt  }
0x7e: {  	_ =	shalt  }
0x7f: {  	_ =	shalt  }
0x80: {  	_ =	shalt  }
0x81: {  	_ =	shalt  }
0x82: {  	_ =	shalt  }
0x83: {  	_ =	shalt  }
0x84: {  	_ =	shalt  }
0x85: {  	_ =	shalt  }
0x86: {  	_ =	shalt  }
0x87: {  	_ =	shalt  }
.Lfunc_end0:
.L_simem_size_0:
called_computation_lowered:
.L_overlay_start_0:
0x88: {  	s0 =	sld [smem:$0x3FD9]  }
0x89: {  	s1 =	sld [smem:$0x3FFE];
	_ =	sdelay $0x3  }
0x8a: {  	s0 =	sadd.s32 s1, s0  }
0x8b: {  	[smem:$0x3FC1] =	sst s0  }
0x8c: {  	_ = 	snop  }
0x8d: {  	(tm) =	ssettm $0x1  }
0x8e: {  	s15 =	sld [smem:$0x3FFB];
	_ =	sdelay $0x3  }
0x8f: {  	_ =	strace s15  }
0x90: {  	s0 =	sld [smem:$0x3FFC];
	_ =	sdelay $0x3  }
0x91: {  	_ =	strace s0  }
0x92: {  	s0 =	sld [smem:$0x3FFD];
	_ =	sdelay $0x3  }
0x93: {  	_ =	strace s0  }
0x94: {  	_ =	strace $0x8FFFFFFF  }
0x95: {  	s16 =	sld [smem:$0x3FDB];
	_ =	sdelay $0x1  }
0x96: {  	s17 =	simm.s32 $_scs_section_size  }
0x97: {  	s2 =	simm.s32 $_size__tile_overlayer_lowered;
	s3 =	simm.s32 $_tile_overlayer_lowered  }
0x98: {  	s20 =	simm.s32 $0x1BFF;
	s19 =	sshll.u32 s3, $0x1;
	s0 =	sadd.s32 s17, s16  }
0x99: {  	s4 =	simm.s32 $0x0;
	s18 =	sshll.u32 s2, $0x1;
	s2 =	sadd.s32 s19, s0  }
0x9a: {  	[timem:s4], [sflag:s20] =	dma.local [hbm:s2], s18  }
0x9b: {  	_ =	swait.ge [sflag:s20], s18  }
0x9c: {  	s1 =	ssub.s32 $0x0, s18;
	[sflag:s20] =	ssyncset.done $0x0  }
0x9d: {  	[sflag:s20] =	ssyncadd.s32 s1;
	_ =	sdelay $0x1  }
0x9e: {  	s21 =	simm.s32 $0x1B8B  }
0x9f: {  	_ =	swait.ge [sflag:s21], $0x1  }
0xa0: {  	[sflag:s21] =	ssyncset.done $0x0  }
0xa1: {  	s23 =	simm.s32 $0x1B8E;
	s22 =	sld [smem:$0x3FFE];
	[sflag:s21] =	ssyncadd.s32 $0xFFFFFFFF  }
0xa2: {  	s24 =	simm.s32 $execute0_lowered;
	[smem:$0x3FD2] =	sst s23  }
0xa3: {  	s2 =	sshll.u32 s24, $0x1;
	_ =	strace $0x80000046;
	[dreg:$0x1] =	wrdreg $0xFFFFFFFF  }
0xa4: {  	s25 =	simm.s32 $_size_execute0_lowered;
	s0 =	sadd.s32 s0, s2;
	[dreg:$0x0] =	wrdreg $0x0  }
0xa5: {  	s2 =	sshll.u32 s25, $0x1;
	[dreg:$0x2] =	wrdreg s0  }
0xa6: {  	[dreg:$0x3] =	wrdreg s2  }
0xa7: {  	[dreg:$0x4] =	wrdreg $0xC0  }
0xa8: {  	_ =	task [dreg:s4], $0x5FFFF  }
0xa9: {  	[dreg:$0x1] =	wrdreg $0xFFFFFFFF  }
0xaa: {  	[dreg:$0x0] =	wrdreg $0x60  }
0xab: {  	[dreg:$0x2] =	wrdreg s22  }
0xac: {  	[dreg:$0x3] =	wrdreg $0x9  }
0xad: {  	_ =	task.clear_ibuf [dreg:s4], $0x4FFFF;
	_ =	strace $0x90000046  }
0xae: {  	s26 =	simm.s32 $0x9;
	_ =	strace $0x80000048  }
0xaf: {  	_ =	swait.ge [sflag:s26], $0x1  }
0xb0: {  	[sflag:s26] =	ssyncadd.s32 $0xFFFFFFFF  }
0xb1: {  	_ =	strace $0x90000048  }
0xb2: {  	_ =	sfence  }
0xb3: {  	s28 =	sld [smem:$0x0];
	_ =	sdelay $0x1  }
0xb4: {  	s29 =	srdreg.scid  }
0xb5: {  	s30 =	sshll.u32 s29, $0xD;
	s31 =	sshrl.u32 s29, $0x2  }
0xb6: {  	s1 =	sand.u32 $0x1, s29;
	s2 =	sand.u32 $0x4000, s30;
	s0 =	sadd.s32 s31, s28  }
0xb7: {  	s1 =	sor.u32 s2, s1;
	s0 =	sshll.u32 s0, $0x11  }
0xb8: {  	s0 =	sor.u32 s0, s1  }
0xb9: {  	s0 =	sadd.s32 $0x8F2B, s0  }
0xba: {  	[sflag:s0] =	ssyncadd.remote.s32 $0x1  }
0xbb: {  	_ =	sfence.sel $0xFFFF  }
0xbc: {  	[dreg:$0x0] =	wrdreg $0xFFFFFFFF;
	(pc) =	sbr.abs _section_cstart, $3  }
0xbd: {  	[dreg:$0x1] =	wrdreg $0xFFFFFFFF  }
0xbe: {  	_ =	task.clear_ibuf [dreg:s4], $0x2FFFF;
	_ =	strace $0x9FFFFFFF  }
0xbf: {  	(tm) =	ssettm $0x7FFFFFFF  }
tec
execute0_lowered:
.L_overlay_start_1:
0x0: {  	(tag) =	ssettag $0x1  }
0x1: {  	s0 =	rddreg [dreg:$0x0]  }
0x2: {  	s14 =	stileid.u32;
	_ =	strace $0x80000047;
	s2 =	simm.s32 $0x1  }
0x3: {  	v1 =	vimm.s32 $0xFFFFFFFF;
	s1 =	smin.u32 s14, $0x4;
	[sflag:s2] =	ssyncpa.u1 $0x0  }
0x4: {  	s1 =	sadd.s32 s14, s1;
	[tilespmem:$0x10] =	vst v1  }
0x5: {  	v0 =	vimm.f32 $0.0e+00;
	p0 =	slt.u32 s14, $0x4;
	[tilespmem:$0x20] =	vst v1;
	s3 =	smul.u32 $0x1F40, s1;
	s1 =	simm.s32 $0x3E80  }
0x6: {  	[tilespmem:$0x30] =	vst v0;
	s1 =	simm.s32 @!p0 $0x1F40  }
0x7: {  	[tilespmem:$0x40] =	vst v0;
	s1 =	sadd.s32 s1, s3  }
0x8: {  	[tilespmem:$0x50] =	vst v0;
	s4 =	smin.u32 s1, $0x27100  }
0x9: {  	[tilespmem:$0x60] =	vst v1;
	s9 =	ssub.s32 s4, s3  }
0xa: {  	s7 =	simm.s32 $0x2;
	s8 =	simm.s32 $0x8;
	[tilespmem:$0x70] =	vst v1;
	p0 =	sgt.s32 s9, $0x0  }
0xb: {  	s31 =	simm.s32 $0x9;
	s16 =	simm.s32 $0x0;
	[tilespmem:$0x80] =	vst v1;
	s9 =	simm.s32 @!p0 $0x0  }
0xc: {  	s17 =	simm.s32 $0xF0;
	s18 =	simm.s32 $0xFFFFFFFF;
	v1 =	vimm.s32 $0x0;
	[tilespmem:$0xB0] =	vst v0;
	s5 =	smulhi.u32 $0x10624DD3, s9  }
0xd: {  	s19 =	simm.s32 $0xFFFFC280;
	s20 =	simm.s32 $0xFFFFFFFE;
	s21 =	simm.s32 $0xF;
	[tilespmem:$0x90] =	vst v1  }
0xe: {  	[tilespmem:$0xA0] =	vst v1;
	[sflag:s7] =	ssyncpa.u1 $0x0;
	s7 =	simm.s32 $0x7;
	s10 =	sshrl.u32 s5, $0x9  }
0xf: {  	s25 =	simm.s32 $0x0;
	[sflag:s7] =	ssyncpa.u1 $0x0;
	s11 =	smul.u32 $0x1F40, s10  }
0x10: {  	s24 =	simm.s32 $0x0;
	s6 =	sadd.s32 $0x19E00, s0;
	[sflag:s8] =	ssyncpa.u1 $0x0  }
.Ltmp0:
0x11: {  	s23 =	smov.u32 s3;
	p0 =	sne.s32 s9, s11;
	(pc) =	sbr.rel .LBB2_1-.Ltmp0, $4  }
0x12: {  	s1 =	sadd.s32 $0x32E00, s0;
	[sflag:s31] =	ssyncpa.u1 $0x0;
	s2 =	simm.s32 @!p0 $0x0  }
0x13: {  	s5 =	sadd.s32 $0x14E00, s0;
	p0 =	por $0x0, $0x0;
	s9 =	sadd.s32 s2, s10  }
0x14: {  	vm0 =	vmmov $0xffff;
	v2 =	vlaneseq.u32;
	s10 =	sshll.u32 s14, $0x1;
	s14 =	sshllo.u32 s14, $0x1;
	s11 =	sadd.s32 $0x1, s9  }
0x15: {  	vm1 =	vmxor vm1, vm1;
	vm2 =	vmmov $0x1;
	vm3 =	vcmask $0x3F3C;
	s12 =	sadd.s32 $0x2, s9;
	s13 =	sor.u32 $0x81, s10;
	s15 =	sor.u32 $0x80, s10  }
.LBB2_9:
0x16: {  	p1 =	slt.u32 s24, $0x3  }
0x17: {  	s0 =	simm.s32 @!p1 $0x2  }
0x18: {  	_ =	swait.ge @!p1 [sflag:s0], $0x1F40  }
0x19: {  	[sflag:s0] =	ssyncset.done @!p1 $0x0  }
0x1a: {  	[sflag:s0] =	ssyncadd.s32 @!p1 $0xFFFFE0C0;
	s0 =	simm.s32 @!p1 $0x9  }
0x1b: {  	_ =	swait.ge @!p1 [sflag:s0], $0x10  }
0x1c: {  	[sflag:s0] =	ssyncset.done @!p1 $0x0  }
0x1d: {  	[sflag:s0] =	ssyncadd.s32 @!p1 $0xFFFFFFF0;
	p1 =	sne.s32 s24, s12  }
.Ltmp1:
0x1e: {  	s2 =	sadd.s32 $0x1F40, s23;
	(pc) =	sbr.rel @!p1 .LBB2_10-.Ltmp1, $4  }
0x1f: {  	s22 =	smov.u32 s3;
	s31 =	sadd.s32 $0x1, s24;
	s17 =	sadd.s32 $0x1F40, s17  }
0x20: {  	s18 =	sadd.s32 $0x1, s18;
	s25 =	smov.u32 s23;
	p2 =	slt.s32 s2, s4  }
0x21: {  	p0 =	por !p0, !p0;
	s19 =	sadd.s32 $0x1F40, s19;
	s22 =	smov.u32 @p2 s2  }
0x22: {  	s20 =	sadd.s32 $0x1, s20;
	s23 =	smov.u32 s22;
	s24 =	smov.u32 s31  }
.LBB2_1:
0x23: {  	p1 =	sge.u32 s24, s9  }
0x24: {  	s0 =	smulhi.u32 @!p1 $0xAAAAAAAB, s24;
	_ =	sdelay $0x1  }
0x25: {  	s0 =	sshrl.u32 @!p1 s0, $0x1  }
0x26: {  	s0 =	smul.u32 @!p1 $0x3, s0;
	_ =	sdelay $0x1  }
0x27: {  	s0 =	ssub.s32 @!p1 s24, s0  }
0x28: {  	s0 =	smul.u32 @!p1 $0x7D00, s0;
	_ =	sdelay $0x1  }
0x29: {  	s2 =	sshrl.u32 @!p1 s23, $0x3;
	s0 =	sshrl.u32 @!p1 s0, $0x2  }
0x2a: {  	s22 =	sand.u32 @!p1 $0x7, s23;
	s2 =	sadd.s32 @!p1 s5, s2;
	s0 =	sadd.s32 @!p1 $0x100, s0  }
0x2b: {  	[tilespmem:s0], [sflag:$0x7] =	stream.linear.gather @!p1 [hbm4b:s2+s22], $0x1F40, $0x38;
	[tilespmem:$0x11A60] =	vst v63  }
0x2c: {  	s0 =	sadd.s32 $0xFFFFFFFF, s24  }
0x2d: {  	p1 =	sge.u32 s0, s9  }
.Ltmp2:
0x2e: {  	_ = 	snop;
	(pc) =	sbr.rel @p1 .LBB2_5-.Ltmp2, $1  }
0x2f: {  	_ =	sdelay $0x3  }
0x30: {  	s2 =	smulhi.u32 $0xAAAAAAAB, s0;
	_ =	sdelay $0x1  }
0x31: {  	s2 =	sshrl.u32 s2, $0x1  }
0x32: {  	s2 =	smul.u32 $0x3, s2;
	_ =	sdelay $0x1  }
0x33: {  	s2 =	ssub.s32 s0, s2  }
0x34: {  	s2 =	smul.u32 $0x7D00, s2  }
0x35: {  	_ =	swait.ge [sflag:s7], $0x1F40  }
0x36: {  	[sflag:s7] =	ssyncset.done $0x0;
	s2 =	sshrl.u32 s2, $0x2  }
0x37: {  	[sflag:s7] =	ssyncadd.s32 $0xFFFFE0C0;
	(ifvalue) =	ssetifvalue $0xFFFFFFFF;
	v3 =	vld.msk [tilespmem:s2+$0x100 ss:$0x1], $0xffff;
	_ =	sdelay $0x2  }
0x38: {  	s30 =	smulhi.u32 $0xAAAAAAAB, s18;
	p1 =	sne.s32 s24, $0x1  }
0x39: {  	v4 =	vimm.s32 @!p1 $0x0  }
0x3a: {  	s2 =	sshrl.u32 s30, $0x1;
	v4 =	vperm.xlane @!p1 v3, v4  }
0x3b: {  	s22 =	sshll.u32 s24, $0x4;
	s2 =	smul.u32 $0xFFFE8900, s2;
	vm4 =	vlt.u32 v3, $0x2800  }
0x3c: {  	s22 =	sand.u32 $0x10, s22;
	v3 =	vnsel vm4, $0xFFFFFFFE, v3;
	vm4 =	vlt.u32 @!p1 v4, $0x2800  }
0x3d: {  	s2 =	sshra.s32 s2, $0x2;
	[tilespmem:s22+$0x60] =	vst v3;
	v3 =	vnsel @!p1 vm4, $0xFFFFFFFE, v4  }
0x3e: {  	s28 =	sadd.s32 s2, s17;
	[tilespmem:$0x80] =	vst @!p1 v3  }
0x3f: {  	v3 =	vld.msk [tilespmem:s28+$0x0 ss:$0x1], $0xffff;
	_ =	sdelay $0x4  }
0x40: {  	(xrf1) =	vunique.msk.u32 $0xffff, v3;
	_ =	sdelay $0xd  }
0x41: {  	v4 =	vimm.s32 $0xFFFFFFFF;
	v5, _, _ =	vpop (xrf1)  }
0x42: {  	vm5 =	vne.s32 v3, v4;
	vm4 =	veq.s32 v5, v2  }
0x43: {  	vm6 =	vlt.u32 v3, $0x2800;
	vm4 =	vmand vm5, vm4  }
0x44: {  	vm4 =	vmand vm6, vm4  }
0x45: {  	v4 =	vnsel vm4, $0xFFFFFFFF, v3  }
0x46: {  	s31 =	sand.u32 $0x1, s0  }
0x47: {  	s0 =	simm.s32 $0x1F40;
	p1 =	seq.s32 s31, $0x1  }
0x48: {  	s0 =	simm.s32 @!p1 $0x0  }
0x49: {  	s26 =	sadd.s32 $0x7DF0, s0;
	(ifvalue) =	ssetifvalue $0xFFFFFFFF  }
0x4a: {  	v3 =	vperm.xlane v3, v1;
	[tilespmem:s26], [sflag:$0x8] =	stream.indirect_vreg.gather [hbm4b:s1+s16], $0x1, v4, vm0, $0x4038;
	v4 =	vnsel vm6, $0xFFFFFFFE, v4;
	[tilespmem:$0x11A60] =	vst v63  }
0x4b: {  	s2 =	simm.s32 $0x0;
	s22 =	sadd.s32 $0xFFFFFFF0, s28;
	[tilespmem:s28+$0x0] =	vst v4  }
.LBB2_3:
0x4c: {  	v4 =	vld.msk [tilespmem:s22+$0x0 ss:$0x1], $0xffff;
	s2 =	sadd.s32 $0x10, s2;
	v5 =	vmov v3;
	s28 =	smov.u32 s22  }
0x4d: {  	p1 =	slt.u32 s2, $0x1F30;
	_ =	sdelay $0x4  }
0x4e: {  	v3 =	vperm.xlane v4, v1;
	(xrf1) =	vunique.msk.u32 $0xffff, v4;
	_ =	sdelay $0xd  }
0x4f: {  	v6, _, _ =	vpop (xrf1)  }
0x50: {  	vm5 =	vne.s32 v4, v5;
	vm4 =	veq.s32 v6, v2  }
0x51: {  	vm6 =	vlt.u32 v4, $0x2800;
	vm4 =	vmand vm5, vm4  }
0x52: {  	vm4 =	vmand vm6, vm4  }
0x53: {  	v4 =	vnsel vm4, $0xFFFFFFFF, v4  }
.Ltmp3:
0x54: {  	v5 =	vnsel vm6, $0xFFFFFFFE, v4;
	(pc) =	sbr.rel @p1 .LBB2_3-.Ltmp3, $3  }
0x55: {  	_ =	sdelay $0x1  }
0x56: {  	s22 =	sadd.s32 $0xFFFFFFF0, s22;
	s26 =	sadd.s32 $0xFFFFFFF0, s26;
	(ifvalue) =	ssetifvalue $0xFFFFFFFF  }
0x57: {  	[tilespmem:s26], [sflag:$0x8] =	stream.indirect_vreg.gather [hbm4b:s1+s16], $0x1, v4, vm0, $0x4038;
	[tilespmem:s28+$0x0] =	vst v5  }
0x58: {  	s2 =	sshrl.u32 s25, $0x3  }
0x59: {  	s0 =	sadd.s32 $0x9D40, s0;
	s2 =	sadd.s32 s6, s2  }
0x5a: {  	[tilespmem:s0], [sflag:$0x8] =	stream.linear.gather [hbm:s2], $0x1F40, $0x38;
	[tilespmem:$0x11A60] =	vst v63  }
.LBB2_5:
0x5b: {  	p1 =	slt.u32 s24, $0x2  }
0x5c: {  	p2 =	sge.u32 @!p1 s24, s12  }
0x5d: {  	p1 =	por p1, p2  }
.Ltmp4:
0x5e: {  	_ = 	snop;
	(pc) =	sbr.rel @p1 .LBB2_9-.Ltmp4, $1  }
0x5f: {  	_ =	sdelay $0x3  }
0x60: {  	s0 =	sadd.s32 $0xFFFFFFFE, s24  }
0x61: {  	s2 =	smulhi.u32 $0xAAAAAAAB, s0;
	_ =	sdelay $0x1  }
0x62: {  	s2 =	sshrl.u32 s2, $0x1  }
0x63: {  	s2 =	smul.u32 $0x3, s2;
	_ =	sdelay $0x1  }
0x64: {  	s0 =	ssub.s32 s0, s2  }
0x65: {  	_ =	swait.ge [sflag:s8], $0x3E80;
	s0 =	smul.u32 $0x1F40, s0  }
0x66: {  	p1 =	sne.s32 s24, s11;
	[sflag:s8] =	ssyncset.done $0x0  }
0x67: {  	[sflag:s8] =	ssyncadd.s32 $0xFFFFC180;
	s2 =	sadd.s32 @!p1 $0x203F, s0  }
0x68: {  	[spmem:s13] =	stream.linear.scatter @!p1 [tilespmem:s2], [sflag:$0x1], $0x1, $0x38;
	[tilespmem:$0x11A60] =	vst v63  }
0x69: {  	s2 =	simm.s32 @!p1 $0x1  }
0x6a: {  	_ =	swait.ge @!p1 [sflag:s2], $0x1  }
0x6b: {  	s22 =	sshll.u32 s24, $0x4;
	[sflag:s2] =	ssyncset.done @!p1 $0x0  }
0x6c: {  	s25 =	sand.u32 $0x10, s22;
	[sflag:s2] =	ssyncadd.s32 @!p1 $0xFFFFFFFF  }
0x6d: {  	s2 =	sxor.u32 $0x10, s25;
	v4 =	vld [tilespmem:s25+$0x10]  }
0x6e: {  	v5 =	vld [tilespmem:s2+$0x60]  }
0x6f: {  	v3 =	vld [tilespmem:$0x80];
	_ =	sdelay $0x2  }
0x70: {  	(v2sf) =	vpush v4, $0x0  }
0x71: {  	(v2sf) =	vpush v5, $0x0  }
0x72: {  	(v2sf) =	vpush v3, $0x0;
	_ =	sdelay $0xc  }
0x73: {  	s22 =	spop (v2sf)  }
0x74: {  	s26 =	spop (v2sf)  }
0x75: {  	s28 =	spop (v2sf)  }
0x76: {  	p2 =	seq.s32 s22, s26;
	p3 =	seq.s32 s28, s22  }
0x77: {  	p3 =	por p2, p3  }
0x78: {  	s26 =	sand.u32 $0x1, s24;
	v4 =	vpsel p3, $0xFFFFFFFF, v4  }
0x79: {  	s29 =	smul.u32 $0x1F40, s26;
	[tilespmem:s25+$0x10] =	vst.msk $0x1, v4  }
0x7a: {  	v4 =	vld [tilespmem:$0x30]  }
0x7b: {  	v5 =	vld [tilespmem:s29+$0x9D40]  }
0x7c: {  	v6 =	vld [tilespmem:s25+$0x40];
	_ =	sdelay $0x3  }
0x7d: {  	vm4 =	vmmov vm1;
	v5 =	vadd.f32 v5, v4  }
0x7e: {  	vm5 =	vmmov vm2;
	vm4 =	vmmov @p2 vm2;
	s22 =	sshll.u32 s26, $0x4;
	v4 =	vadd.f32 v6, v4  }
0x7f: {  	s26 =	sor.u32 $0x11A40, s22;
	vm5 =	vmmov @p3 vm1;
	[tilespmem:s29+$0x9D40] =	vst.msk vm4, v5  }
0x80: {  	[tilespmem:s26+$0x0] =	vst.msk vm5, v4  }
0x81: {  	v4 =	vld [tilespmem:s29+$0x7DF0];
	_ =	sdelay $0x3  }
0x82: {  	v5 =	vimm.f32 $0.0e+00  }
0x83: {  	v4 =	vshift.insert v4, v5, s21  }
0x84: {  	s22 =	sor.u32 $0x40, s2  }
0x85: {  	[tilespmem:s22+$0x0] =	vst.msk $0x1, v4  }
0x86: {  	[tilespmem:s29+$0x7DFF] =	vst.msk $0x1, v5  }
0x87: {  	v4 =	vld [tilespmem:s0+$0x2030];
	_ =	sdelay $0x1  }
0x88: {  	s22 =	smulhi.u32 $0xAAAAAAAB, s20;
	s0 =	simm.s32 $0x1  }
0x89: {  	s0 =	simm.s32 @!p0 $0x0  }
0x8a: {  	s22 =	sshrl.u32 s22, $0x1;
	s0 =	smul.u32 $0x7D00, s0  }
0x8b: {  	s22 =	smul.u32 $0xFFFE8900, s22;
	v4 =	vshift.insert v4, v1, s21  }
0x8c: {  	s0 =	sshrl.u32 s0, $0x2  }
0x8d: {  	s22 =	sshra.s32 s22, $0x2;
	s30 =	sadd.s32 $0x9D40, s0;
	[tilespmem:s2+$0x10] =	vst.msk $0x1, v4  }
0x8e: {  	s22 =	sadd.s32 s22, s19;
	v6 =	vld [tilespmem:s30+$0x0]  }
0x8f: {  	v7 =	vld [tilespmem:s22+$0x0];
	_ =	sdelay $0x3  }
0x90: {  	v5 =	vadd.f32 v6, v5  }
0x91: {  	vm4 =	vne.s32 v7, $0xFFFFFFFF  }
0x92: {  	(xrf2) =	vadd.seg.scan.f32 vm4, v5;
	_ =	sdelay $0x3  }
0x93: {  	s31 =	sadd.s32 $0x5EC0, s0;
	v5 =	vperm.xlane v4, v1  }
0x94: {  	v6 =	vld [tilespmem:s31+$0x0]  }
0x95: {  	vm5 =	veq.s32 v7, v3;
	vm6 =	veq.s32 v7, v5  }
0x96: {  	vm7 =	vgt.u32 v7, $0xFFFFFFFD;
	vm6 =	vmor vm6, vm5  }
0x97: {  	vm6 =	vmor vm6, vm7  }
0x98: {  	v9 =	vld [tilespmem:$0xA0];
	v7 =	vsel vm6, $0xFFFFFFFF, v7  }
0x99: {  	v10 =	vld [tilespmem:$0x90];
	v6 =	vsel vm5, $0x0, v6;
	v8, _, _ =	vpop (xrf2)  }
0x9a: {  	v6 =	vadd.f32 v8, v6  }
0x9b: {  	s0 =	sadd.s32 $0xDBC0, s0  }
0x9c: {  	vm4 =	vmand vm4, vm3;
	[tilespmem:s0+$0x0] =	vst v6;
	(ifvalue) =	ssetifvalue $0xFFFFFFFF  }
0x9d: {  	vm6 =	veq.s32 v9, $0x1;
	[hbm4b:s1+s16] =	stream.indirect_vreg.scatter [tilespmem:s0], [sflag:$0x2], $0x1, v7, vm0, $0x4038;
	v7 =	vsel vm4, $0x0, v8;
	[tilespmem:$0x11A60] =	vst v63  }
0x9e: {  	s2 =	simm.s32 $0x0;
	s22 =	sadd.s32 $0x10, s22;
	vm4 =	vmor vm6, vm5;
	v6 =	vsel vm5, v8, v10;
	v7 =	vshift.insert v7, v0, s21  }
.LBB2_7:
0x9f: {  	v8 =	vld [tilespmem:s22+$0x0];
	s30 =	sadd.s32 $0x10, s30  }
0xa0: {  	s31 =	sadd.s32 $0x10, s31;
	v9 =	vld [tilespmem:s30+$0x0]  }
0xa1: {  	s2 =	sadd.s32 $0x10, s2;
	v10 =	vld [tilespmem:s31+$0x0]  }
0xa2: {  	p2 =	slt.u32 s2, $0x1F30;
	_ =	sdelay $0x2  }
0xa3: {  	v7 =	vadd.f32 v9, v7  }
0xa4: {  	vm5 =	vne.s32 v8, $0xFFFFFFFF  }
0xa5: {  	vm6 =	vmand vm5, vm3;
	(xrf2) =	vadd.seg.scan.f32 vm5, v7;
	_ =	sdelay $0x5  }
0xa6: {  	vm7 =	veq.s32 v8, v5;
	vm5 =	veq.s32 v8, v3  }
0xa7: {  	vm8 =	vgt.u32 v8, $0xFFFFFFFD;
	vm4 =	vmor vm4, vm5;
	vm7 =	vmor vm7, vm5  }
0xa8: {  	vm7 =	vmor vm7, vm8  }
0xa9: {  	v8 =	vsel vm7, $0xFFFFFFFF, v8  }
.Ltmp5:
0xaa: {  	v7 =	vsel vm5, $0x0, v10;
	v9, _, _ =	vpop (xrf2);
	(pc) =	sbr.rel @p2 .LBB2_7-.Ltmp5, $4  }
0xab: {  	v6 =	vsel vm5, v9, v6;
	v10 =	vadd.f32 v9, v7;
	v7 =	vsel vm6, $0x0, v9  }
0xac: {  	s0 =	sadd.s32 $0x10, s0;
	v7 =	vshift.insert v7, v0, s21  }
0xad: {  	s22 =	sadd.s32 $0x10, s22;
	[tilespmem:s0+$0x0] =	vst v10;
	(ifvalue) =	ssetifvalue $0xFFFFFFFF  }
0xae: {  	[hbm4b:s1+s16] =	stream.indirect_vreg.scatter [tilespmem:s0], [sflag:$0x2], $0x1, v8, vm0, $0x4038;
	[tilespmem:$0x11A60] =	vst v63  }
0xaf: {  	v3 =	vld [tilespmem:s29+$0xFAF0];
	_ =	sdelay $0x4  }
0xb0: {  	v3 =	vshift.insert v3, v0, s21  }
0xb1: {  	s0 =	simm.s32 $0x30  }
0xb2: {  	[tilespmem:s0+$0x0] =	vst.msk $0x1, v3  }
0xb3: {  	v3 =	vsel vm4, $0x1, v1;
	[tilespmem:$0x90] =	vst v6  }
0xb4: {  	s0 =	sadd.s32 @!p1 $0xFAFF, s29;
	[tilespmem:$0xA0] =	vst v3  }
0xb5: {  	[spmem:s14] =	stream.linear.scatter @!p1 [tilespmem:s0], [sflag:$0x1], $0x1, $0x38;
	[tilespmem:$0x11A60] =	vst v63  }
0xb6: {  	s0 =	simm.s32 @!p1 $0x1  }
0xb7: {  	v3 =	vmctz.xlane @!p1 vm4;
	_ =	swait.ge @!p1 [sflag:s0], $0x1  }
0xb8: {  	(v2sf) =	vpush @!p1 v4, $0x0  }
0xb9: {  	(v2sf) =	vpush @!p1 v3, $0x0;
	_ =	sdelay $0xd  }
0xba: {  	s2 =	spop @!p1 (v2sf)  }
0xbb: {  	s22 =	spop @!p1 (v2sf)  }
0xbc: {  	p2 =	sne.s32 @!p1 s28, s2;
	p3 =	slt.s32 @!p1 s22, $0xF  }
0xbd: {  	[sflag:s0] =	ssyncset.done @!p1 $0x0;
	p2 =	por p2, p1;
	p3 =	por !p3, p1  }
0xbe: {  	[sflag:s0] =	ssyncadd.s32 @!p1 $0xFFFFFFFF;
	v3 =	vimm.s32 @!p2 $0xFFFFFFFF;
	s22 =	simm.s32 @p3 $0xF  }
0xbf: {  	[tilespmem:$0x80] =	vst @!p2 v3;
	s2 =	sadd.s32 @!p1 $0x90, s22  }
0xc0: {  	[spmem:s10] =	stream.linear.scatter @!p1 [tilespmem:s2], [sflag:$0x1], $0x1, $0x38;
	[tilespmem:$0x11A60] =	vst v63  }
0xc1: {  	_ =	swait.ge @!p1 [sflag:s0], $0x1  }
0xc2: {  	[sflag:s0] =	ssyncset.done @!p1 $0x0  }
0xc3: {  	s2 =	simm.s32 @!p1 $0x80;
	[sflag:s0] =	ssyncadd.s32 @!p1 $0xFFFFFFFF  }
0xc4: {  	[spmem:s15] =	stream.linear.scatter @!p1 [tilespmem:s2], [sflag:$0x1], $0x1, $0x38;
	[tilespmem:$0x11A60] =	vst v63  }
0xc5: {  	_ =	swait.ge @!p1 [sflag:s0], $0x1  }
0xc6: {  	[sflag:s0] =	ssyncset.done @!p1 $0x0  }
0xc7: {  	[sflag:s0] =	ssyncadd.s32 @!p1 $0xFFFFFFFF;
	(ifvalue) =	ssetifvalue $0xFFFFFFFF;
	v3 =	vld [tilespmem:s25+$0x10];
	_ =	sdelay $0x3  }
.Ltmp6:
0xc8: {  	_ = 	snop;
	(pc) =	sbr.rel .LBB2_9-.Ltmp6, $3  }
0xc9: {  	_ =	sdelay $0x1  }
0xca: {  	(ifvalue) =	ssetifvalue $0xFFFFFFFF  }
0xcb: {  	[hbm4b:s1+s16] =	stream.indirect_vreg.scatter [tilespmem:s26], [sflag:$0x9], $0x1, v3, vm0, $0x4038;
	[tilespmem:$0x11A60] =	vst v63  }
.LBB2_10:
0xcc: {  	_ =	sfence.sel $0x180000  }
0xcd: {  	s0 =	simm.s32 $0x7;
	[bflag:$0x0] =	sbarrier.arrive $0xFFFF  }
0xce: {  	s26 =	simm.s32 $0x8;
	[sflag:s0] =	ssyncpa.u1 $0x1  }
0xcf: {  	s28 =	simm.s32 $0x9;
	[sflag:s26] =	ssyncpa.u1 $0x1  }
0xd0: {  	[sflag:s28] =	ssyncpa.u1 $0x1  }
0xd1: {  	_ =	sfence.stream.spmem  }
0xd2: {  	s29 =	simm.s32 $0x3;
	[bflag:$0x0] =	sbarrier.arrive $0xFFFF  }
0xd3: {  	s30 =	simm.s32 $0x4;
	[sflag:s29] =	ssyncpa.u1 $0x1  }
0xd4: {  	s31 =	simm.s32 $0x3C;
	s2 =	stileid.u32;
	[sflag:s30] =	ssyncpa.u1 $0x1  }
0xd5: {  	p0 =	sne.s32 s2, $0x0;
	[sflag:s31] =	ssyncpa.u1 $0x1  }
0xd6: {  	s0 =	simm.s32 @p0 $0x1;
	_ =	sfence @p0  }
0xd7: {  	[sflag:s0] =	ssyncpa.u1 @p0 $0x1;
	s0 =	simm.s32 @p0 $0x2  }
0xd8: {  	[sflag:s0] =	ssyncpa.u1 @p0 $0x1  }
0xd9: {  	_ =	strace @p0 $0x90000047  }
0xda: {  	[bflag:$0x2] =	sbarrier.arrive @p0 $0xFFFF  }
0xdb: {  	_ =	shalt @p0  }
.LBB2_11:
0xdc: {  	_ =	sfence.stream.spmem;
	s0 =	simm.s32 $0x5  }
0xdd: {  	s2 =	simm.s32 $0x80;
	s3 =	simm.s32 $0xC0;
	[sflag:s0] =	ssyncpa.u1 $0x0  }
0xde: {  	[tilespmem:s3], [sflag:$0x5] =	stream.linear.gather [spmem:s2], $0x20, $0x38;
	[tilespmem:$0x11A60] =	vst v63  }
0xdf: {  	s2 =	simm.s32 $0x0;
	s3 =	simm.s32 $0xE0  }
0xe0: {  	[tilespmem:s3], [sflag:$0x5] =	stream.linear.gather [spmem:s2], $0x20, $0x38;
	[tilespmem:$0x11A60] =	vst v63  }
.Ltmp7:
0xe1: {  	_ = 	snop;
	(pc) =	sbr.rel .LBB2_12-.Ltmp7, $4  }
0xe2: {  	_ =	swait.ge [sflag:s0], $0x40  }
0xe3: {  	[sflag:s0] =	ssyncset.done $0x0  }
0xe4: {  	s31 =	simm.s32 $0x6;
	[sflag:s0] =	ssyncadd.s32 $0xFFFFFFC0  }
0xe5: {  	s4 =	simm.s32 $0x0;
	[sflag:s31] =	ssyncpa.u1 $0x0  }
.LBB2_17:
0xe6: {  	p0 =	sgt.u32 s5, $0x27FF  }
0xe7: {  	s0 =	sshrl.u32 @!p0 s5, $0x3  }
0xe8: {  	s5 =	sand.u32 @!p0 $0x7, s5;
	s6 =	simm.s32 @!p0 $0xB0;
	s0 =	sadd.s32 @!p0 s1, s0  }
0xe9: {  	[tilespmem:s6], [sflag:$0x6] =	stream.linear.gather @!p0 [hbm4b:s0+s5], $0x1, $0x38;
	[tilespmem:$0x11A60] =	vst v63  }
0xea: {  	s0 =	simm.s32 @!p0 $0x6  }
0xeb: {  	_ =	swait.ge @!p0 [sflag:s0], $0x1  }
0xec: {  	[sflag:s0] =	ssyncset.done @!p0 $0x0  }
0xed: {  	[sflag:s0] =	ssyncadd.s32 @!p0 $0xFFFFFFFF  }
0xee: {  	v2 =	vmov @!p0 s4;
	v1 =	vld.msk @!p0 [tilespmem:$0xB0], $0x1;
	_ =	sdelay $0x3  }
0xef: {  	s0 =	simm.s32 @!p0 $0xE0  }
0xf0: {  	[tilespmem:v2+s0+$0x0], v1 =	vst.idx.ret.add.f32.msk @!p0 $0x1, v1  }
0xf1: {  	[tilespmem:s2+$0xC0] =	vst.msk $0x1, v0  }
0xf2: {  	v0 =	vld.msk [tilespmem:s4+$0xE0], $0x1;
	_ =	sdelay $0x4  }
0xf3: {  	[tilespmem:s2+$0xE0] =	vst.msk $0x1, v0;
	s2 =	sadd.s32 $0x1, s2  }
.LBB2_19:
0xf4: {  	s4 =	sadd.s32 $0x1, s4  }
0xf5: {  	p0 =	sne.s32 s4, $0x20  }
.Ltmp8:
0xf6: {  	_ = 	snop;
	(pc) =	sbr.rel @!p0 .LBB2_20-.Ltmp8, $1  }
0xf7: {  	_ =	sdelay $0x3  }
.LBB2_12:
0xf8: {  	v0 =	vld.msk [tilespmem:s4+$0xC0], $0x1;
	_ =	sdelay $0x4  }
0xf9: {  	(v2sf) =	vpush v0, $0x0;
	_ =	sdelay $0xe  }
0xfa: {  	s5 =	spop (v2sf)  }
0xfb: {  	p0 =	seq.s32 s5, $0xFFFFFFFF  }
.Ltmp9:
0xfc: {  	_ = 	snop;
	(pc) =	sbr.rel @p0 .LBB2_19-.Ltmp9, $1  }
0xfd: {  	_ =	sdelay $0x3  }
0xfe: {  	p0 =	slt.s32 s2, $0x1  }
.Ltmp10:
0xff: {  	_ = 	snop;
	(pc) =	sbr.rel @p0 .LBB2_17-.Ltmp10, $1  }
0x100: {  	_ =	sdelay $0x3  }
0x101: {  	s0 =	simm.s32 $0xC0;
	p0 =	por $0x0, $0x0  }
0x102: {  	v1 =	vld.msk @!p0 [tilespmem:s0+$0x0], $0x1;
	_ =	sdelay $0x4  }
0x103: {  	(v2sf) =	vpush @!p0 v1, $0x0;
	_ =	sdelay $0xd  }
0x104: {  	p2 =	sne.s32 s2, $0x1  }
.Ltmp11:
0x105: {  	s6 =	spop @!p0 (v2sf);
	(pc) =	sbr.rel @!p2 .LBB2_16-.Ltmp11, $4  }
0x106: {  	p1 =	seq.s32 @!p0 s5, s6  }
0x107: {  	s6 =	simm.s32 $0x0;
	p1 =	por !p1, p0  }
0x108: {  	s8 =	simm.s32 $0xFFFFFFFF;
	s6 =	simm.s32 @p1 $0xFFFFFFFF  }
0x109: {  	s7 =	simm.s32 $0x1;
	s6 =	smov.u32 @p0 s8  }
.LBB2_15:
0x10a: {  	s8 =	smov.u32 s6;
	p0 =	sne.s32 s6, $0xFFFFFFFF  }
0x10b: {  	s0 =	sadd.s32 $0x1, s0;
	s6 =	smov.u32 s7;
	s7 =	sadd.s32 $0x1, s7  }
0x10c: {  	p1 =	sne.s32 s2, s7;
	v1 =	vld.msk @!p0 [tilespmem:s0+$0x0], $0x1;
	_ =	sdelay $0x4  }
0x10d: {  	(v2sf) =	vpush @!p0 v1, $0x0;
	_ =	sdelay $0xe  }
.Ltmp12:
0x10e: {  	s9 =	spop @!p0 (v2sf);
	(pc) =	sbr.rel @p1 .LBB2_15-.Ltmp12, $4  }
0x10f: {  	p2 =	seq.s32 @!p0 s5, s9  }
0x110: {  	p2 =	por !p2, p0  }
0x111: {  	s6 =	simm.s32 @p2 $0xFFFFFFFF  }
0x112: {  	s6 =	smov.u32 @p0 s8  }
.LBB2_16:
0x113: {  	p0 =	sne.s32 s6, $0xFFFFFFFF  }
.Ltmp13:
0x114: {  	_ = 	snop;
	(pc) =	sbr.rel @!p0 .LBB2_17-.Ltmp13, $1  }
0x115: {  	_ =	sdelay $0x3  }
0x116: {  	v0 =	vld.msk [tilespmem:s4+$0xE0], $0x1;
	v1 =	vmov s6  }
.Ltmp14:
0x117: {  	_ = 	snop;
	(pc) =	sbr.rel .LBB2_19-.Ltmp14, $2  }
0x118: {  	_ =	sdelay $0x2  }
0x119: {  	[tilespmem:v1+s3+$0x0], v0 =	vst.idx.ret.add.f32.msk $0x1, v0  }
.LBB2_20:
0x11a: {  	p0 =	slt.s32 s2, $0x1  }
.Ltmp15:
0x11b: {  	_ = 	snop;
	(pc) =	sbr.rel @p0 .LBB2_24-.Ltmp15, $3  }
0x11c: {  	_ =	sdelay $0x1  }
0x11d: {  	s0 =	simm.s32 $0x6  }
0x11e: {  	s3 =	simm.s32 $0x0;
	[sflag:s0] =	ssyncpa.u1 $0x1  }
0x11f: {  	s0 =	simm.s32 $0xC0  }
0x120: {  	v0 =	vld.msk [tilespmem:s0+$0x0], $0x1;
	_ =	sdelay $0x4  }
0x121: {  	(v2sf) =	vpush v0, $0x0;
	_ =	sdelay $0xe  }
0x122: {  	s2 =	sadd.s32 $0xFFFFFFFF, s2;
	s4 =	spop (v2sf)  }
0x123: {  	p1 =	sne.s32 s2, $0x0;
	p0 =	sgt.u32 s4, $0x27FF  }
.Ltmp16:
0x124: {  	s5 =	sshrl.u32 @!p0 s4, $0x3;
	(pc) =	sbr.rel @!p1 .LBB2_23-.Ltmp16, $4  }
0x125: {  	s0 =	simm.s32 $0xE0;
	s4 =	sand.u32 @!p0 $0x7, s4;
	s5 =	sadd.s32 @!p0 s1, s5  }
0x126: {  	[hbm4b:s5+s4] =	stream.linear.scatter @!p0 [tilespmem:s0], [sflag:$0x5], $0x1, $0x38;
	[tilespmem:$0x11A60] =	vst v63  }
0x127: {  	s5 =	simm.s32 $0x0  }
0x128: {  	s4 =	simm.s32 $0xC1;
	s5 =	simm.s32 @!p0 $0x4  }
.LBB2_22:
0x129: {  	v0 =	vld.msk [tilespmem:s4+$0x0], $0x1;
	s2 =	sadd.s32 $0xFFFFFFFF, s2;
	s3 =	sadd.s32 s3, s5  }
0x12a: {  	p0 =	sne.s32 s2, $0x0;
	_ =	sdelay $0x3  }
0x12b: {  	(v2sf) =	vpush v0, $0x0;
	_ =	sdelay $0xe  }
.Ltmp17:
0x12c: {  	s6 =	spop (v2sf);
	(pc) =	sbr.rel @p0 .LBB2_22-.Ltmp17, $4  }
0x12d: {  	s5 =	simm.s32 $0x0;
	p1 =	sgt.u32 s6, $0x27FF  }
0x12e: {  	s0 =	sadd.s32 $0x1, s0;
	s5 =	simm.s32 @!p1 $0x4;
	s7 =	sshrl.u32 @!p1 s6, $0x3  }
0x12f: {  	s4 =	sadd.s32 $0x1, s4;
	s6 =	sand.u32 @!p1 $0x7, s6;
	s7 =	sadd.s32 @!p1 s1, s7  }
0x130: {  	[hbm4b:s7+s6] =	stream.linear.scatter @!p1 [tilespmem:s0], [sflag:$0x5], $0x1, $0x38;
	[tilespmem:$0x11A60] =	vst v63  }
.LBB2_23:
0x131: {  	s0 =	sadd.s32 s3, s5  }
0x132: {  	s3 =	sshrl.u32 s0, $0x2  }
.LBB2_24:
0x133: {  	s0 =	simm.s32 $0x5  }
0x134: {  	_ =	swait.ge [sflag:s0], s3  }
0x135: {  	s1 =	ssub.s32 $0x0, s3;
	[sflag:s0] =	ssyncset.done $0x0  }
0x136: {  	[sflag:s0] =	ssyncadd.s32 s1  }
0x137: {  	[sflag:s0] =	ssyncpa.u1 $0x1  }
0x138: {  	s29 =	simm.s32 $0x1;
	_ =	sfence  }
0x139: {  	s30 =	simm.s32 $0x2;
	[sflag:s29] =	ssyncpa.u1 $0x1  }
0x13a: {  	[sflag:s30] =	ssyncpa.u1 $0x1  }
0x13b: {  	_ =	strace $0x90000047  }
0x13c: {  	[bflag:$0x2] =	sbarrier.arrive $0xFFFF  }
0x13d: {  	s31 =	rddreg [dreg:$0x1]  }
0x13e: {  	s0 =	sadd.s32 $0x100000, s31  }
0x13f: {  	[sflag:s0] =	ssyncadd.tile.s32 $0x1;
	_ =	shalt  }
.Lfunc_end2:
_tile_overlayer_lowered:
.L_overlay_start_2:
0x140: {  	(tag) =	ssettag $0x2  }
0x141: {  	s0 =	rddreg [dreg:$0x0];
	s2 =	stileid.u32  }
0x142: {  	s1 =	rddreg [dreg:$0x1];
	p0 =	sne.s32 s2, $0x0  }
0x143: {  	s3 =	rddreg [dreg:$0x2];
	[bflag:$0x3] =	sbarrier.arrive $0xFFFF;
	s2 =	simm.s32 @!p0 $0x1C01  }
0x144: {  	[timem:s3], [sflag:s2] =	dma.local @!p0 [hbm:s0], s1  }
0x145: {  	s0 =	simm.s32 @!p0 $0x1  }
0x146: {  	_ =	swait.ge @!p0 [sflag:s0], s1  }
0x147: {  	s1 =	ssub.s32 @!p0 $0x0, s1;
	[sflag:s0] =	ssyncset.done @!p0 $0x0  }
0x148: {  	[sflag:s0] =	ssyncadd.s32 @!p0 s1  }
0x149: {  	[bflag:$0x3] =	sbarrier.arrive $0xFFFF  }
0x14a: {  	_ =	shalt  }

</sc_bundles>
